<compile_context>
chip_gen: v7x
topology: tpu7x:2x2x1
jax: 0.10.2.dev20260603
libtpu: 0.0.44.dev20260713+nightly
codegen_flags: <defaults>
</compile_context>

<pallas_src>
import functools

import jax
import jax.numpy as jnp
from jax import lax
from jax.experimental import pallas as pl
from jax.experimental.pallas import tpu as pltpu
from jax.experimental.pallas import tpu_sc as plsc

N, E, DIN, H, DOUT = 10000, 320000, 128, 256, 300
N_PAD = 10240
E_PAD = 327680
CHUNK = 128
ECH = E_PAD // CHUNK
NSUB = 16
NCORE = 2
ROWS_PER_SUB = N_PAD // NSUB
NCH1 = ECH // (NCORE * NSUB)
NCH2 = ECH // NSUB
SLAB = 40
BLK = 80
GRID_R = N // BLK
COFF = N_PAD // BLK

_MESH = plsc.VectorSubcoreMesh(core_axis_name="c", subcore_axis_name="s")


def _zero_acc_rows(rows_v, acc, base_r):
    full, rem = divmod(ROWS_PER_SUB, CHUNK)
    for t in range(full):
        pltpu.sync_copy(rows_v, acc.at[pl.ds(base_r + t * CHUNK, CHUNK)])
    if rem:
        pltpu.sync_copy(rows_v.at[pl.ds(0, rem)],
                        acc.at[pl.ds(base_r + full * CHUNK, rem)])


def _zero_fill(ref2d, width):
    def _fill(i, carry):
        for k in range(width // 16):
            ref2d[i, pl.ds(k * 16, 16)] = jnp.zeros((16,), jnp.float32)
        return carry
    lax.fori_loop(0, CHUNK, _fill, None)


@functools.partial(
    pl.kernel,
    out_type=[jax.ShapeDtypeStruct((NCORE * N_PAD, DIN), jnp.float32),
              jax.ShapeDtypeStruct((NCORE * N_PAD,), jnp.float32)],
    mesh=_MESH,
    scratch_types=[
        pltpu.VMEM((SLAB, CHUNK), jnp.int32),
        pltpu.VMEM((SLAB, CHUNK), jnp.int32),
        pltpu.VMEM((CHUNK, DIN), jnp.float32),
        pltpu.VMEM((CHUNK, DIN), jnp.float32),
        pltpu.VMEM((CHUNK,), jnp.float32),
        pltpu.VMEM((ROWS_PER_SUB,), jnp.float32),
        pltpu.VMEM_SHARED((N_PAD, DIN), jnp.float32),
        pltpu.VMEM_SHARED((N_PAD,), jnp.float32),
        pltpu.SemaphoreType.DMA,
        pltpu.SemaphoreType.DMA,
    ],
)
def _sc_seg1(x_hbm, src_hbm, dst_hbm, psum_hbm, pcnt_hbm,
             src_all, dst_all, rows0, rows1, ones_v, zc_v, acc, cnt_sh,
             sem0, sem1):
    c = lax.axis_index("c")
    s = lax.axis_index("s")
    w = c * NSUB + s
    row0 = w * NCH1

    for k in range(CHUNK // 16):
        ones_v[pl.ds(k * 16, 16)] = jnp.ones((16,), jnp.float32)

    def _fill_zc(i, carry):
        zc_v[pl.ds(i * 16, 16)] = jnp.zeros((16,), jnp.float32)
        return carry
    lax.fori_loop(0, ROWS_PER_SUB // 16, _fill_zc, None)

    _zero_fill(rows0, DIN)
    base_r = s * ROWS_PER_SUB
    _zero_acc_rows(rows0, acc, base_r)
    pltpu.sync_copy(zc_v, cnt_sh.at[pl.ds(base_r, ROWS_PER_SUB)])
    plsc.subcore_barrier()

    def _slab(si, carry):
        r0 = row0 + si * SLAB
        pltpu.sync_copy(src_hbm.at[pl.ds(r0, SLAB)], src_all)
        pltpu.sync_copy(dst_hbm.at[pl.ds(r0, SLAB)], dst_all)
        pltpu.async_copy(x_hbm.at[src_all.at[0]], rows0, sem0)
        pltpu.async_copy(x_hbm.at[src_all.at[1]], rows1, sem1)

        def _pair(t, carry2):
            j0 = 2 * t
            pltpu.make_async_copy(x_hbm.at[src_all.at[j0]], rows0,
                                  sem0).wait()
            pltpu.sync_copy(rows0, acc.at[dst_all.at[j0]], add=True)
            pltpu.sync_copy(ones_v, cnt_sh.at[dst_all.at[j0]], add=True)
            pltpu.async_copy(x_hbm.at[src_all.at[j0 + 2]], rows0, sem0)
            pltpu.make_async_copy(x_hbm.at[src_all.at[j0 + 1]], rows1,
                                  sem1).wait()
            pltpu.sync_copy(rows1, acc.at[dst_all.at[j0 + 1]], add=True)
            pltpu.sync_copy(ones_v, cnt_sh.at[dst_all.at[j0 + 1]], add=True)
            pltpu.async_copy(x_hbm.at[src_all.at[j0 + 3]], rows1, sem1)
            return carry2
        lax.fori_loop(0, SLAB // 2 - 1, _pair, None)

        j0 = SLAB - 2
        pltpu.make_async_copy(x_hbm.at[src_all.at[j0]], rows0, sem0).wait()
        pltpu.sync_copy(rows0, acc.at[dst_all.at[j0]], add=True)
        pltpu.sync_copy(ones_v, cnt_sh.at[dst_all.at[j0]], add=True)
        pltpu.make_async_copy(x_hbm.at[src_all.at[j0 + 1]], rows1,
                              sem1).wait()
        pltpu.sync_copy(rows1, acc.at[dst_all.at[j0 + 1]], add=True)
        pltpu.sync_copy(ones_v, cnt_sh.at[dst_all.at[j0 + 1]], add=True)
        return carry
    lax.fori_loop(0, NCH1 // SLAB, _slab, None)

    plsc.subcore_barrier()
    out_r0 = c * N_PAD + base_r
    pltpu.sync_copy(acc.at[pl.ds(base_r, ROWS_PER_SUB)],
                    psum_hbm.at[pl.ds(out_r0, ROWS_PER_SUB)])
    pltpu.sync_copy(cnt_sh.at[pl.ds(base_r, ROWS_PER_SUB)], zc_v)
    pltpu.sync_copy(zc_v, pcnt_hbm.at[pl.ds(out_r0, ROWS_PER_SUB)])


@functools.partial(
    pl.kernel,
    out_type=jax.ShapeDtypeStruct((N_PAD, H), jnp.float32),
    mesh=_MESH,
    scratch_types=[
        pltpu.VMEM((SLAB, CHUNK), jnp.int32),
        pltpu.VMEM((SLAB, CHUNK), jnp.int32),
        pltpu.VMEM((CHUNK, 128), jnp.float32),
        pltpu.VMEM((CHUNK, 128), jnp.float32),
        pltpu.VMEM_SHARED((N_PAD, 128), jnp.float32),
        pltpu.SemaphoreType.DMA,
        pltpu.SemaphoreType.DMA,
    ],
)
def _sc_seg2(h_hbm, src2_hbm, dst_hbm, summ2_hbm,
             src_all, dst_all, rows0, rows1, acc, sem0, sem1):
    c = lax.axis_index("c")
    s = lax.axis_index("s")
    src_r0 = c * ECH + s * NCH2
    dst_r0 = s * NCH2

    _zero_fill(rows0, 128)
    base_r = s * ROWS_PER_SUB
    _zero_acc_rows(rows0, acc, base_r)
    plsc.subcore_barrier()

    def _slab(si, carry):
        pltpu.sync_copy(src2_hbm.at[pl.ds(src_r0 + si * SLAB, SLAB)],
                        src_all)
        pltpu.sync_copy(dst_hbm.at[pl.ds(dst_r0 + si * SLAB, SLAB)],
                        dst_all)
        pltpu.async_copy(h_hbm.at[src_all.at[0]], rows0, sem0)
        pltpu.async_copy(h_hbm.at[src_all.at[1]], rows1, sem1)

        def _pair(t, carry2):
            j0 = 2 * t
            pltpu.make_async_copy(h_hbm.at[src_all.at[j0]], rows0,
                                  sem0).wait()
            pltpu.sync_copy(rows0, acc.at[dst_all.at[j0]], add=True)
            pltpu.async_copy(h_hbm.at[src_all.at[j0 + 2]], rows0, sem0)
            pltpu.make_async_copy(h_hbm.at[src_all.at[j0 + 1]], rows1,
                                  sem1).wait()
            pltpu.sync_copy(rows1, acc.at[dst_all.at[j0 + 1]], add=True)
            pltpu.async_copy(h_hbm.at[src_all.at[j0 + 3]], rows1, sem1)
            return carry2
        lax.fori_loop(0, SLAB // 2 - 1, _pair, None)

        j0 = SLAB - 2
        pltpu.make_async_copy(h_hbm.at[src_all.at[j0]], rows0, sem0).wait()
        pltpu.sync_copy(rows0, acc.at[dst_all.at[j0]], add=True)
        pltpu.make_async_copy(h_hbm.at[src_all.at[j0 + 1]], rows1,
                              sem1).wait()
        pltpu.sync_copy(rows1, acc.at[dst_all.at[j0 + 1]], add=True)
        return carry
    lax.fori_loop(0, NCH2 // SLAB, _slab, None)

    plsc.subcore_barrier()
    pltpu.sync_copy(acc.at[pl.ds(base_r, ROWS_PER_SUB)],
                    summ2_hbm.at[pl.ds(base_r, ROWS_PER_SUB),
                                 pl.ds(c * 128, 128)])


def _tc1_body(ps0, ps1, pc0, pc1, x_r, wl_r, wr_r, b_r, h_r):
    cnt = jnp.maximum(pc0[...] + pc1[...], 1.0)
    mean = (ps0[...] + ps1[...]) / cnt
    h = jnp.dot(mean, wl_r[...], preferred_element_type=jnp.float32)
    h += jnp.dot(x_r[...], wr_r[...], preferred_element_type=jnp.float32)
    h_r[...] = jnp.maximum(h + b_r[...], 0.0)


def _tc_layer1(psum, pcnt, x, W_l1, W_r1, b1r):
    return pl.pallas_call(
        _tc1_body,
        grid=(GRID_R, 2),
        in_specs=[
            pl.BlockSpec((BLK, DIN), lambda i, j: (i, 0)),
            pl.BlockSpec((BLK, DIN), lambda i, j: (COFF + i, 0)),
            pl.BlockSpec((BLK, 1), lambda i, j: (i, 0)),
            pl.BlockSpec((BLK, 1), lambda i, j: (COFF + i, 0)),
            pl.BlockSpec((BLK, DIN), lambda i, j: (i, 0)),
            pl.BlockSpec((DIN, 128), lambda i, j: (0, j)),
            pl.BlockSpec((DIN, 128), lambda i, j: (0, j)),
            pl.BlockSpec((1, 128), lambda i, j: (0, j)),
        ],
        out_specs=pl.BlockSpec((BLK, 128), lambda i, j: (j * COFF + i, 0)),
        out_shape=jax.ShapeDtypeStruct((NCORE * N_PAD, 128), jnp.float32),
    )(psum, psum, pcnt, pcnt, x, W_l1, W_r1, b1r)


def _tc2_body(s2, pc0, pc1, hl, hr, wl, wra, wrb, b_r, o_r):
    cnt = jnp.maximum(pc0[...] + pc1[...], 1.0)
    mean = s2[...] / cnt
    z = jnp.dot(mean, wl[...], preferred_element_type=jnp.float32)
    z += jnp.dot(hl[...], wra[...], preferred_element_type=jnp.float32)
    z += jnp.dot(hr[...], wrb[...], preferred_element_type=jnp.float32)
    z += b_r[...]
    m = jnp.max(z, axis=1, keepdims=True)
    ez = jnp.exp(z - m)
    o_r[...] = (z - m) - jnp.log(jnp.sum(ez, axis=1, keepdims=True))


def _tc_layer2(summ2, pcnt, h2, W_l2, W_r2a, W_r2b, b2r):
    return pl.pallas_call(
        _tc2_body,
        grid=(GRID_R,),
        in_specs=[
            pl.BlockSpec((BLK, H), lambda i: (i, 0)),
            pl.BlockSpec((BLK, 1), lambda i: (i, 0)),
            pl.BlockSpec((BLK, 1), lambda i: (COFF + i, 0)),
            pl.BlockSpec((BLK, 128), lambda i: (i, 0)),
            pl.BlockSpec((BLK, 128), lambda i: (COFF + i, 0)),
            pl.BlockSpec((H, DOUT), lambda i: (0, 0)),
            pl.BlockSpec((128, DOUT), lambda i: (0, 0)),
            pl.BlockSpec((128, DOUT), lambda i: (0, 0)),
            pl.BlockSpec((1, DOUT), lambda i: (0, 0)),
        ],
        out_specs=pl.BlockSpec((BLK, DOUT), lambda i: (i, 0)),
        out_shape=jax.ShapeDtypeStruct((N, DOUT), jnp.float32),
    )(summ2, pcnt, pcnt, h2, h2, W_l2, W_r2a, W_r2b, b2r)


def kernel(x, edge_index, W_l1, W_r1, b1, W_l2, W_r2, b2):
    src = edge_index[0]
    dst = edge_index[1]
    pad = jnp.full((E_PAD - E,), N, jnp.int32)
    src_p = jnp.concatenate([src, pad])
    dst_p = jnp.concatenate([dst, pad]).reshape(ECH, CHUNK)
    src2_p = jnp.concatenate([src_p, src_p + N_PAD]).reshape(2 * ECH, CHUNK)
    src_p = src_p.reshape(ECH, CHUNK)
    x_pad = jnp.zeros((N_PAD, DIN), jnp.float32).at[:N].set(x)

    psum, pcnt = _sc_seg1(x_pad, src_p, dst_p)
    pcnt = pcnt.reshape(NCORE * N_PAD, 1)
    h2 = _tc_layer1(psum, pcnt, x, W_l1, W_r1, b1.reshape(1, H))
    summ2 = _sc_seg2(h2, src2_p, dst_p)
    return _tc_layer2(summ2, pcnt, h2, W_l2, W_r2[:128], W_r2[128:],
                      b2.reshape(1, DOUT))

# --- scband reference (transcript-rebuilt; emitter-appended) ---
"""Pipeline reference for scband-sgnn-69535520522428 (READ-ONLY COPY).

The authoritative reference and input builder live on the scoring server;
editing this copy changes nothing except your own understanding.
"""

import jax, jax.numpy as jnp
import numpy as np

N, E, DIN, H, DOUT = 10000, 320000, 128, 256, 300


def setup_inputs(seed: int = 0) -> dict:
    key = jax.random.key(seed)
    ks = jax.random.split(key, 9)
    x = jax.random.normal(ks[0], (N, DIN), dtype=jnp.float32)
    edge_index = jax.random.randint(ks[1], (2, E), 0, N, dtype=jnp.int32)
    s_in = 1.0 / np.sqrt(DIN)
    s_h = 1.0 / np.sqrt(H)
    W_l1 = jax.random.normal(ks[2], (DIN, H), dtype=jnp.float32) * s_in
    W_r1 = jax.random.normal(ks[3], (DIN, H), dtype=jnp.float32) * s_in
    b1 = jnp.zeros((H,), dtype=jnp.float32)
    W_l2 = jax.random.normal(ks[4], (H, DOUT), dtype=jnp.float32) * s_h
    W_r2 = jax.random.normal(ks[5], (H, DOUT), dtype=jnp.float32) * s_h
    b2 = jnp.zeros((DOUT,), dtype=jnp.float32)
    return {"x": x, "edge_index": edge_index, "W_l1": W_l1, "W_r1": W_r1, "b1": b1, "W_l2": W_l2, "W_r2": W_r2, "b2": b2}


def _sage_conv(x, edge_index, W_l, W_r, b):
    # PyG SAGEConv: out = lin_l(mean_{j in N(i)} x_j) + lin_r(x_i)
    src = edge_index[0]
    dst = edge_index[1]
    msgs = jnp.take(x, src, axis=0)
    summed = jax.ops.segment_sum(msgs, dst, num_segments=x.shape[0])
    cnt = jax.ops.segment_sum(jnp.ones((edge_index.shape[1],), dtype=x.dtype), dst, num_segments=x.shape[0])
    mean = summed / jnp.maximum(cnt, 1.0)[:, None]
    return mean @ W_l + x @ W_r + b


def reference(x, edge_index, W_l1, W_r1, b1, W_l2, W_r2, b2):
    h = jax.nn.relu(_sage_conv(x, edge_index, W_l1, W_r1, b1))
    # dropout treated as identity (eval-mode deterministic reference)
    out = _sage_conv(h, edge_index, W_l2, W_r2, b2)
    return jax.nn.log_softmax(out, axis=1)

if __name__ == "__main__":
    import jax
    _d = setup_inputs()
    print(jax.jit(kernel)(*tuple(_d.values())))

</pallas_src>

<mosaic_0001>
#map = affine_map<(d0, d1) -> (0, 0)>
module attributes {stable_mosaic.version = 14 : i64} {
  func.func @_sc_seg2(%arg0: i32, %arg1: i32, %arg2: memref<20480x128xf32, #tpu.memory_space<hbm>>, %arg3: memref<5120x128xi32, #tpu.memory_space<hbm>>, %arg4: memref<2560x128xi32, #tpu.memory_space<hbm>>, %arg5: memref<10240x256xf32, #tpu.memory_space<hbm>>, %arg6: memref<40x128xi32, #tpu.memory_space<vmem>>, %arg7: memref<40x128xi32, #tpu.memory_space<vmem>>, %arg8: memref<128x128xf32, #tpu.memory_space<vmem>>, %arg9: memref<128x128xf32, #tpu.memory_space<vmem>>, %arg10: memref<10240x128xf32, #tpu.memory_space<vmem_shared>>, %arg11: memref<!tpu.dma_semaphore, #tpu.memory_space<semaphore_mem>>, %arg12: memref<!tpu.dma_semaphore, #tpu.memory_space<semaphore_mem>>) attributes {dimension_semantics = [#tpu.dimension_semantics<core_parallel>, #tpu.dimension_semantics<subcore_parallel>], iteration_bounds = array<i64: 2, 16>, scalar_prefetch = 0 : i64, scratch_operands = 7 : i64, tpu.core_type = #tpu.core_type<sc_vector_subcore>, window_params = [{transform_indices = #map}, {transform_indices = #map}, {transform_indices = #map}, {transform_indices = #map}]} {
    %mul3A = arith.constant 2560 : i32
    %mul3A_0 = arith.muli %arg0, %mul3A : i32
    %mul3A_1 = arith.constant 160 : i32
    %mul3A_2 = arith.muli %arg1, %mul3A_1 : i32
    %add3A = arith.addi %mul3A_0, %mul3A_2 : i32
    %mul3A_3 = arith.constant 160 : i32
    %mul3A_4 = arith.muli %arg1, %mul3A_3 : i32
    %scan3A = arith.constant 0 : i32
    %scan3A_5 = arith.constant 128 : i32
    %scan3A_6 = arith.addi %scan3A, %scan3A_5 : i32
    %scan3A_7 = arith.constant 1 : i32
    scf.for %scan3A_29 = %scan3A to %scan3A_6 step %scan3A_7  : i32 {
      %broadcast_in_dim3A = arith.constant 0.000000e+00 : f32
      %broadcast_in_dim3A_30 = vector.broadcast %broadcast_in_dim3A : f32 to vector<16xf32>
      %swap3A = arith.index_cast %scan3A_29 : i32 to index
      %swap3A_31 = arith.constant 0 : index
      %swap3A_32 = tpu.vector_load %arg8[%swap3A, %swap3A_31] {strides = array<i32>} : memref<128x128xf32, #tpu.memory_space<vmem>>, vector<1x16xf32>,
      %swap3A_33 = vector.shape_cast %swap3A_32 : vector<1x16xf32> to vector<16xf32>
      %swap3A_34 = vector.shape_cast %broadcast_in_dim3A_30 : vector<16xf32> to vector<1x16xf32>
      tpu.vector_store %arg8[%swap3A, %swap3A_31], %swap3A_34 {strides = array<i32>} : memref<128x128xf32, #tpu.memory_space<vmem>>, vector<1x16xf32>,
      %broadcast_in_dim3A_35 = arith.constant 0.000000e+00 : f32
      %broadcast_in_dim3A_36 = vector.broadcast %broadcast_in_dim3A_35 : f32 to vector<16xf32>
      %swap3A_37 = arith.index_cast %scan3A_29 : i32 to index
      %swap3A_38 = arith.constant 16 : index
      %swap3A_39 = tpu.vector_load %arg8[%swap3A_37, %swap3A_38] {strides = array<i32>} : memref<128x128xf32, #tpu.memory_space<vmem>>, vector<1x16xf32>,
      %swap3A_40 = vector.shape_cast %swap3A_39 : vector<1x16xf32> to vector<16xf32>
      %swap3A_41 = vector.shape_cast %broadcast_in_dim3A_36 : vector<16xf32> to vector<1x16xf32>
      tpu.vector_store %arg8[%swap3A_37, %swap3A_38], %swap3A_41 {strides = array<i32>} : memref<128x128xf32, #tpu.memory_space<vmem>>, vector<1x16xf32>,
      %broadcast_in_dim3A_42 = arith.constant 0.000000e+00 : f32
      %broadcast_in_dim3A_43 = vector.broadcast %broadcast_in_dim3A_42 : f32 to vector<16xf32>
      %swap3A_44 = arith.index_cast %scan3A_29 : i32 to index
      %swap3A_45 = arith.constant 32 : index
      %swap3A_46 = tpu.vector_load %arg8[%swap3A_44, %swap3A_45] {strides = array<i32>} : memref<128x128xf32, #tpu.memory_space<vmem>>, vector<1x16xf32>,
      %swap3A_47 = vector.shape_cast %swap3A_46 : vector<1x16xf32> to vector<16xf32>
      %swap3A_48 = vector.shape_cast %broadcast_in_dim3A_43 : vector<16xf32> to vector<1x16xf32>
      tpu.vector_store %arg8[%swap3A_44, %swap3A_45], %swap3A_48 {strides = array<i32>} : memref<128x128xf32, #tpu.memory_space<vmem>>, vector<1x16xf32>,
      %broadcast_in_dim3A_49 = arith.constant 0.000000e+00 : f32
      %broadcast_in_dim3A_50 = vector.broadcast %broadcast_in_dim3A_49 : f32 to vector<16xf32>
      %swap3A_51 = arith.index_cast %scan3A_29 : i32 to index
      %swap3A_52 = arith.constant 48 : index
      %swap3A_53 = tpu.vector_load %arg8[%swap3A_51, %swap3A_52] {strides = array<i32>} : memref<128x128xf32, #tpu.memory_space<vmem>>, vector<1x16xf32>,
      %swap3A_54 = vector.shape_cast %swap3A_53 : vector<1x16xf32> to vector<16xf32>
      %swap3A_55 = vector.shape_cast %broadcast_in_dim3A_50 : vector<16xf32> to vector<1x16xf32>
      tpu.vector_store %arg8[%swap3A_51, %swap3A_52], %swap3A_55 {strides = array<i32>} : memref<128x128xf32, #tpu.memory_space<vmem>>, vector<1x16xf32>,
      %broadcast_in_dim3A_56 = arith.constant 0.000000e+00 : f32
      %broadcast_in_dim3A_57 = vector.broadcast %broadcast_in_dim3A_56 : f32 to vector<16xf32>
      %swap3A_58 = arith.index_cast %scan3A_29 : i32 to index
      %swap3A_59 = arith.constant 64 : index
      %swap3A_60 = tpu.vector_load %arg8[%swap3A_58, %swap3A_59] {strides = array<i32>} : memref<128x128xf32, #tpu.memory_space<vmem>>, vector<1x16xf32>,
      %swap3A_61 = vector.shape_cast %swap3A_60 : vector<1x16xf32> to vector<16xf32>
      %swap3A_62 = vector.shape_cast %broadcast_in_dim3A_57 : vector<16xf32> to vector<1x16xf32>
      tpu.vector_store %arg8[%swap3A_58, %swap3A_59], %swap3A_62 {strides = array<i32>} : memref<128x128xf32, #tpu.memory_space<vmem>>, vector<1x16xf32>,
      %broadcast_in_dim3A_63 = arith.constant 0.000000e+00 : f32
      %broadcast_in_dim3A_64 = vector.broadcast %broadcast_in_dim3A_63 : f32 to vector<16xf32>
      %swap3A_65 = arith.index_cast %scan3A_29 : i32 to index
      %swap3A_66 = arith.constant 80 : index
      %swap3A_67 = tpu.vector_load %arg8[%swap3A_65, %swap3A_66] {strides = array<i32>} : memref<128x128xf32, #tpu.memory_space<vmem>>, vector<1x16xf32>,
      %swap3A_68 = vector.shape_cast %swap3A_67 : vector<1x16xf32> to vector<16xf32>
      %swap3A_69 = vector.shape_cast %broadcast_in_dim3A_64 : vector<16xf32> to vector<1x16xf32>
      tpu.vector_store %arg8[%swap3A_65, %swap3A_66], %swap3A_69 {strides = array<i32>} : memref<128x128xf32, #tpu.memory_space<vmem>>, vector<1x16xf32>,
      %broadcast_in_dim3A_70 = arith.constant 0.000000e+00 : f32
      %broadcast_in_dim3A_71 = vector.broadcast %broadcast_in_dim3A_70 : f32 to vector<16xf32>
      %swap3A_72 = arith.index_cast %scan3A_29 : i32 to index
      %swap3A_73 = arith.constant 96 : index
      %swap3A_74 = tpu.vector_load %arg8[%swap3A_72, %swap3A_73] {strides = array<i32>} : memref<128x128xf32, #tpu.memory_space<vmem>>, vector<1x16xf32>,
      %swap3A_75 = vector.shape_cast %swap3A_74 : vector<1x16xf32> to vector<16xf32>
      %swap3A_76 = vector.shape_cast %broadcast_in_dim3A_71 : vector<16xf32> to vector<1x16xf32>
      tpu.vector_store %arg8[%swap3A_72, %swap3A_73], %swap3A_76 {strides = array<i32>} : memref<128x128xf32, #tpu.memory_space<vmem>>, vector<1x16xf32>,
      %broadcast_in_dim3A_77 = arith.constant 0.000000e+00 : f32
      %broadcast_in_dim3A_78 = vector.broadcast %broadcast_in_dim3A_77 : f32 to vector<16xf32>
      %swap3A_79 = arith.index_cast %scan3A_29 : i32 to index
      %swap3A_80 = arith.constant 112 : index
      %swap3A_81 = tpu.vector_load %arg8[%swap3A_79, %swap3A_80] {strides = array<i32>} : memref<128x128xf32, #tpu.memory_space<vmem>>, vector<1x16xf32>,
      %swap3A_82 = vector.shape_cast %swap3A_81 : vector<1x16xf32> to vector<16xf32>
      %swap3A_83 = vector.shape_cast %broadcast_in_dim3A_78 : vector<16xf32> to vector<1x16xf32>
      tpu.vector_store %arg8[%swap3A_79, %swap3A_80], %swap3A_83 {strides = array<i32>} : memref<128x128xf32, #tpu.memory_space<vmem>>, vector<1x16xf32>,
    }
    %scan3A_8 = arith.constant 128 : i32
    %mul3A_9 = arith.constant 640 : i32
    %mul3A_10 = arith.muli %arg1, %mul3A_9 : i32
    %add3A_11 = arith.constant 0 : i32
    %add3A_12 = arith.addi %mul3A_10, %add3A_11 : i32
    "tpu.region"() ({
      %run_scoped3A = tpu.sem_alloc : memref<!tpu.dma_semaphore, #tpu.memory_space<semaphore_mem>>
      %dma_start3A = arith.constant 0 : i32
      %dma_start3A_29 = tpu.memref_slice %arg10[%add3A_12, %dma_start3A] : memref<10240x128xf32, #tpu.memory_space<vmem_shared>> -> memref<128x128xf32, #tpu.memory_space<vmem_shared>>
      %dma_start3A_30 = arith.constant 0 : i32
      %dma_start3A_31 = tpu.memref_slice %arg10[%add3A_12, %dma_start3A_30] : memref<10240x128xf32, #tpu.memory_space<vmem_shared>> -> memref<128x128xf32, #tpu.memory_space<vmem_shared>>
      tpu.enqueue_dma source(%arg8 : memref<128x128xf32, #tpu.memory_space<vmem>>) target(%dma_start3A_31 : memref<128x128xf32, #tpu.memory_space<vmem_shared>>) target_semaphore(%run_scoped3A : memref<!tpu.dma_semaphore, #tpu.memory_space<semaphore_mem>>)
      %dma_wait3A = arith.constant 0 : i32
      %dma_wait3A_32 = tpu.memref_slice %arg10[%add3A_12, %dma_wait3A] : memref<10240x128xf32, #tpu.memory_space<vmem_shared>> -> memref<128x128xf32, #tpu.memory_space<vmem_shared>>
      %dma_wait3A_33 = arith.constant 0 : i32
      %dma_wait3A_34 = tpu.memref_slice %arg10[%add3A_12, %dma_wait3A_33] : memref<10240x128xf32, #tpu.memory_space<vmem_shared>> -> memref<128x128xf32, #tpu.memory_space<vmem_shared>>
      tpu.wait_dma2 semaphore(%run_scoped3A : memref<!tpu.dma_semaphore, #tpu.memory_space<semaphore_mem>>) src(%arg8 : memref<128x128xf32, #tpu.memory_space<vmem>>) dst(%dma_wait3A_34 : memref<128x128xf32, #tpu.memory_space<vmem_shared>>)
      tpu.yield
    }) : () -> ()
    %add3A_13 = arith.constant 128 : i32
    %add3A_14 = arith.addi %mul3A_10, %add3A_13 : i32
    "tpu.region"() ({
      %run_scoped3A = tpu.sem_alloc : memref<!tpu.dma_semaphore, #tpu.memory_space<semaphore_mem>>
      %dma_start3A = arith.constant 0 : i32
      %dma_start3A_29 = tpu.memref_slice %arg10[%add3A_14, %dma_start3A] : memref<10240x128xf32, #tpu.memory_space<vmem_shared>> -> memref<128x128xf32, #tpu.memory_space<vmem_shared>>
      %dma_start3A_30 = arith.constant 0 : i32
      %dma_start3A_31 = tpu.memref_slice %arg10[%add3A_14, %dma_start3A_30] : memref<10240x128xf32, #tpu.memory_space<vmem_shared>> -> memref<128x128xf32, #tpu.memory_space<vmem_shared>>
      tpu.enqueue_dma source(%arg8 : memref<128x128xf32, #tpu.memory_space<vmem>>) target(%dma_start3A_31 : memref<128x128xf32, #tpu.memory_space<vmem_shared>>) target_semaphore(%run_scoped3A : memref<!tpu.dma_semaphore, #tpu.memory_space<semaphore_mem>>)
      %dma_wait3A = arith.constant 0 : i32
      %dma_wait3A_32 = tpu.memref_slice %arg10[%add3A_14, %dma_wait3A] : memref<10240x128xf32, #tpu.memory_space<vmem_shared>> -> memref<128x128xf32, #tpu.memory_space<vmem_shared>>
      %dma_wait3A_33 = arith.constant 0 : i32
      %dma_wait3A_34 = tpu.memref_slice %arg10[%add3A_14, %dma_wait3A_33] : memref<10240x128xf32, #tpu.memory_space<vmem_shared>> -> memref<128x128xf32, #tpu.memory_space<vmem_shared>>
      tpu.wait_dma2 semaphore(%run_scoped3A : memref<!tpu.dma_semaphore, #tpu.memory_space<semaphore_mem>>) src(%arg8 : memref<128x128xf32, #tpu.memory_space<vmem>>) dst(%dma_wait3A_34 : memref<128x128xf32, #tpu.memory_space<vmem_shared>>)
      tpu.yield
    }) : () -> ()
    %add3A_15 = arith.constant 256 : i32
    %add3A_16 = arith.addi %mul3A_10, %add3A_15 : i32
    "tpu.region"() ({
      %run_scoped3A = tpu.sem_alloc : memref<!tpu.dma_semaphore, #tpu.memory_space<semaphore_mem>>
      %dma_start3A = arith.constant 0 : i32
      %dma_start3A_29 = tpu.memref_slice %arg10[%add3A_16, %dma_start3A] : memref<10240x128xf32, #tpu.memory_space<vmem_shared>> -> memref<128x128xf32, #tpu.memory_space<vmem_shared>>
      %dma_start3A_30 = arith.constant 0 : i32
      %dma_start3A_31 = tpu.memref_slice %arg10[%add3A_16, %dma_start3A_30] : memref<10240x128xf32, #tpu.memory_space<vmem_shared>> -> memref<128x128xf32, #tpu.memory_space<vmem_shared>>
      tpu.enqueue_dma source(%arg8 : memref<128x128xf32, #tpu.memory_space<vmem>>) target(%dma_start3A_31 : memref<128x128xf32, #tpu.memory_space<vmem_shared>>) target_semaphore(%run_scoped3A : memref<!tpu.dma_semaphore, #tpu.memory_space<semaphore_mem>>)
      %dma_wait3A = arith.constant 0 : i32
      %dma_wait3A_32 = tpu.memref_slice %arg10[%add3A_16, %dma_wait3A] : memref<10240x128xf32, #tpu.memory_space<vmem_shared>> -> memref<128x128xf32, #tpu.memory_space<vmem_shared>>
      %dma_wait3A_33 = arith.constant 0 : i32
      %dma_wait3A_34 = tpu.memref_slice %arg10[%add3A_16, %dma_wait3A_33] : memref<10240x128xf32, #tpu.memory_space<vmem_shared>> -> memref<128x128xf32, #tpu.memory_space<vmem_shared>>
      tpu.wait_dma2 semaphore(%run_scoped3A : memref<!tpu.dma_semaphore, #tpu.memory_space<semaphore_mem>>) src(%arg8 : memref<128x128xf32, #tpu.memory_space<vmem>>) dst(%dma_wait3A_34 : memref<128x128xf32, #tpu.memory_space<vmem_shared>>)
      tpu.yield
    }) : () -> ()
    %add3A_17 = arith.constant 384 : i32
    %add3A_18 = arith.addi %mul3A_10, %add3A_17 : i32
    "tpu.region"() ({
      %run_scoped3A = tpu.sem_alloc : memref<!tpu.dma_semaphore, #tpu.memory_space<semaphore_mem>>
      %dma_start3A = arith.constant 0 : i32
      %dma_start3A_29 = tpu.memref_slice %arg10[%add3A_18, %dma_start3A] : memref<10240x128xf32, #tpu.memory_space<vmem_shared>> -> memref<128x128xf32, #tpu.memory_space<vmem_shared>>
      %dma_start3A_30 = arith.constant 0 : i32
      %dma_start3A_31 = tpu.memref_slice %arg10[%add3A_18, %dma_start3A_30] : memref<10240x128xf32, #tpu.memory_space<vmem_shared>> -> memref<128x128xf32, #tpu.memory_space<vmem_shared>>
      tpu.enqueue_dma source(%arg8 : memref<128x128xf32, #tpu.memory_space<vmem>>) target(%dma_start3A_31 : memref<128x128xf32, #tpu.memory_space<vmem_shared>>) target_semaphore(%run_scoped3A : memref<!tpu.dma_semaphore, #tpu.memory_space<semaphore_mem>>)
      %dma_wait3A = arith.constant 0 : i32
      %dma_wait3A_32 = tpu.memref_slice %arg10[%add3A_18, %dma_wait3A] : memref<10240x128xf32, #tpu.memory_space<vmem_shared>> -> memref<128x128xf32, #tpu.memory_space<vmem_shared>>
      %dma_wait3A_33 = arith.constant 0 : i32
      %dma_wait3A_34 = tpu.memref_slice %arg10[%add3A_18, %dma_wait3A_33] : memref<10240x128xf32, #tpu.memory_space<vmem_shared>> -> memref<128x128xf32, #tpu.memory_space<vmem_shared>>
      tpu.wait_dma2 semaphore(%run_scoped3A : memref<!tpu.dma_semaphore, #tpu.memory_space<semaphore_mem>>) src(%arg8 : memref<128x128xf32, #tpu.memory_space<vmem>>) dst(%dma_wait3A_34 : memref<128x128xf32, #tpu.memory_space<vmem_shared>>)
      tpu.yield
    }) : () -> ()
    %add3A_19 = arith.constant 512 : i32
    %add3A_20 = arith.addi %mul3A_10, %add3A_19 : i32
    "tpu.region"() ({
      %run_scoped3A = tpu.sem_alloc : memref<!tpu.dma_semaphore, #tpu.memory_space<semaphore_mem>>
      %dma_start3A = arith.constant 0 : i32
      %dma_start3A_29 = tpu.memref_slice %arg10[%add3A_20, %dma_start3A] : memref<10240x128xf32, #tpu.memory_space<vmem_shared>> -> memref<128x128xf32, #tpu.memory_space<vmem_shared>>
      %dma_start3A_30 = arith.constant 0 : i32
      %dma_start3A_31 = tpu.memref_slice %arg10[%add3A_20, %dma_start3A_30] : memref<10240x128xf32, #tpu.memory_space<vmem_shared>> -> memref<128x128xf32, #tpu.memory_space<vmem_shared>>
      tpu.enqueue_dma source(%arg8 : memref<128x128xf32, #tpu.memory_space<vmem>>) target(%dma_start3A_31 : memref<128x128xf32, #tpu.memory_space<vmem_shared>>) target_semaphore(%run_scoped3A : memref<!tpu.dma_semaphore, #tpu.memory_space<semaphore_mem>>)
      %dma_wait3A = arith.constant 0 : i32
      %dma_wait3A_32 = tpu.memref_slice %arg10[%add3A_20, %dma_wait3A] : memref<10240x128xf32, #tpu.memory_space<vmem_shared>> -> memref<128x128xf32, #tpu.memory_space<vmem_shared>>
      %dma_wait3A_33 = arith.constant 0 : i32
      %dma_wait3A_34 = tpu.memref_slice %arg10[%add3A_20, %dma_wait3A_33] : memref<10240x128xf32, #tpu.memory_space<vmem_shared>> -> memref<128x128xf32, #tpu.memory_space<vmem_shared>>
      tpu.wait_dma2 semaphore(%run_scoped3A : memref<!tpu.dma_semaphore, #tpu.memory_space<semaphore_mem>>) src(%arg8 : memref<128x128xf32, #tpu.memory_space<vmem>>) dst(%dma_wait3A_34 : memref<128x128xf32, #tpu.memory_space<vmem_shared>>)
      tpu.yield
    }) : () -> ()
    %barrier3A = arith.constant 0 : index
    tpu.barrier barrier_id(%barrier3A)
    %scan3A_21 = arith.constant 0 : i32
    %scan3A_22 = arith.constant 4 : i32
    %scan3A_23 = arith.addi %scan3A_21, %scan3A_22 : i32
    %scan3A_24 = arith.constant 1 : i32
    scf.for %scan3A_29 = %scan3A_21 to %scan3A_23 step %scan3A_24  : i32 {
      %mul3A_30 = arith.constant 40 : i32
      %mul3A_31 = arith.muli %scan3A_29, %mul3A_30 : i32
      %add3A_32 = arith.addi %add3A, %mul3A_31 : i32
      "tpu.region"() ({
        %run_scoped3A_68 = tpu.sem_alloc : memref<!tpu.dma_semaphore, #tpu.memory_space<semaphore_mem>>
        %dma_start3A_69 = arith.constant 0 : i32
        %dma_start3A_70 = tpu.memref_slice %arg3[%add3A_32, %dma_start3A_69] : memref<5120x128xi32, #tpu.memory_space<hbm>> -> memref<40x128xi32, #tpu.memory_space<hbm>>
        %dma_start3A_71 = arith.constant 0 : i32
        %dma_start3A_72 = tpu.memref_slice %arg3[%add3A_32, %dma_start3A_71] : memref<5120x128xi32, #tpu.memory_space<hbm>> -> memref<40x128xi32, #tpu.memory_space<hbm>>
        tpu.enqueue_dma source(%dma_start3A_72 : memref<40x128xi32, #tpu.memory_space<hbm>>) target(%arg6 : memref<40x128xi32, #tpu.memory_space<vmem>>) target_semaphore(%run_scoped3A_68 : memref<!tpu.dma_semaphore, #tpu.memory_space<semaphore_mem>>)
        %dma_wait3A_73 = arith.constant 0 : i32
        %dma_wait3A_74 = tpu.memref_slice %arg3[%add3A_32, %dma_wait3A_73] : memref<5120x128xi32, #tpu.memory_space<hbm>> -> memref<40x128xi32, #tpu.memory_space<hbm>>
        %dma_wait3A_75 = arith.constant 0 : i32
        %dma_wait3A_76 = tpu.memref_slice %arg3[%add3A_32, %dma_wait3A_75] : memref<5120x128xi32, #tpu.memory_space<hbm>> -> memref<40x128xi32, #tpu.memory_space<hbm>>
        tpu.wait_dma2 semaphore(%run_scoped3A_68 : memref<!tpu.dma_semaphore, #tpu.memory_space<semaphore_mem>>) src(%dma_wait3A_76 : memref<40x128xi32, #tpu.memory_space<hbm>>) dst(%arg6 : memref<40x128xi32, #tpu.memory_space<vmem>>)
        tpu.yield
      }) : () -> ()
      %mul3A_33 = arith.constant 40 : i32
      %mul3A_34 = arith.muli %scan3A_29, %mul3A_33 : i32
      %add3A_35 = arith.addi %mul3A_4, %mul3A_34 : i32
      "tpu.region"() ({
        %run_scoped3A_68 = tpu.sem_alloc : memref<!tpu.dma_semaphore, #tpu.memory_space<semaphore_mem>>
        %dma_start3A_69 = arith.constant 0 : i32
        %dma_start3A_70 = tpu.memref_slice %arg4[%add3A_35, %dma_start3A_69] : memref<2560x128xi32, #tpu.memory_space<hbm>> -> memref<40x128xi32, #tpu.memory_space<hbm>>
        %dma_start3A_71 = arith.constant 0 : i32
        %dma_start3A_72 = tpu.memref_slice %arg4[%add3A_35, %dma_start3A_71] : memref<2560x128xi32, #tpu.memory_space<hbm>> -> memref<40x128xi32, #tpu.memory_space<hbm>>
        tpu.enqueue_dma source(%dma_start3A_72 : memref<40x128xi32, #tpu.memory_space<hbm>>) target(%arg7 : memref<40x128xi32, #tpu.memory_space<vmem>>) target_semaphore(%run_scoped3A_68 : memref<!tpu.dma_semaphore, #tpu.memory_space<semaphore_mem>>)
        %dma_wait3A_73 = arith.constant 0 : i32
        %dma_wait3A_74 = tpu.memref_slice %arg4[%add3A_35, %dma_wait3A_73] : memref<2560x128xi32, #tpu.memory_space<hbm>> -> memref<40x128xi32, #tpu.memory_space<hbm>>
        %dma_wait3A_75 = arith.constant 0 : i32
        %dma_wait3A_76 = tpu.memref_slice %arg4[%add3A_35, %dma_wait3A_75] : memref<2560x128xi32, #tpu.memory_space<hbm>> -> memref<40x128xi32, #tpu.memory_space<hbm>>
        tpu.wait_dma2 semaphore(%run_scoped3A_68 : memref<!tpu.dma_semaphore, #tpu.memory_space<semaphore_mem>>) src(%dma_wait3A_76 : memref<40x128xi32, #tpu.memory_space<hbm>>) dst(%arg7 : memref<40x128xi32, #tpu.memory_space<vmem>>)
        tpu.yield
      }) : () -> ()
      %dma_start3A = arith.constant 0 : i32
      %dma_start3A_36 = arith.constant 0 : i32
      %dma_start3A_37 = tpu.memref_slice %arg6[%dma_start3A, %dma_start3A_36] : memref<40x128xi32, #tpu.memory_space<vmem>> -> memref<1x128xi32, #tpu.memory_space<vmem>>
      %dma_start3A_38 = tpu.memref_squeeze %dma_start3A_37 : memref<1x128xi32, #tpu.memory_space<vmem>> -> memref<128xi32, #tpu.memory_space<vmem>>
      %dma_start3A_39 = arith.constant 0 : i32
      %dma_start3A_40 = arith.constant 0 : i32
      %dma_start3A_41 = tpu.memref_slice %arg2[%dma_start3A_39, %dma_start3A_40] : memref<20480x128xf32, #tpu.memory_space<hbm>> -> memref<20480x128xf32, #tpu.memory_space<hbm>>
      tpu.enqueue_indirect_dma source(%dma_start3A_41 : memref<20480x128xf32, #tpu.memory_space<hbm>>) target(%arg8 : memref<128x128xf32, #tpu.memory_space<vmem>>) offsets(%dma_start3A_38 : memref<128xi32, #tpu.memory_space<vmem>>) semaphore(%arg11 : memref<!tpu.dma_semaphore, #tpu.memory_space<semaphore_mem>>)
      %dma_start3A_42 = arith.constant 1 : i32
      %dma_start3A_43 = arith.constant 0 : i32
      %dma_start3A_44 = tpu.memref_slice %arg6[%dma_start3A_42, %dma_start3A_43] : memref<40x128xi32, #tpu.memory_space<vmem>> -> memref<1x128xi32, #tpu.memory_space<vmem>>
      %dma_start3A_45 = tpu.memref_squeeze %dma_start3A_44 : memref<1x128xi32, #tpu.memory_space<vmem>> -> memref<128xi32, #tpu.memory_space<vmem>>
      %dma_start3A_46 = arith.constant 0 : i32
      %dma_start3A_47 = arith.constant 0 : i32
      %dma_start3A_48 = tpu.memref_slice %arg2[%dma_start3A_46, %dma_start3A_47] : memref<20480x128xf32, #tpu.memory_space<hbm>> -> memref<20480x128xf32, #tpu.memory_space<hbm>>
      tpu.enqueue_indirect_dma source(%dma_start3A_48 : memref<20480x128xf32, #tpu.memory_space<hbm>>) target(%arg9 : memref<128x128xf32, #tpu.memory_space<vmem>>) offsets(%dma_start3A_45 : memref<128xi32, #tpu.memory_space<vmem>>) semaphore(%arg12 : memref<!tpu.dma_semaphore, #tpu.memory_space<semaphore_mem>>)
      %scan3A_49 = arith.constant 0 : i32
      %scan3A_50 = arith.constant 19 : i32
      %scan3A_51 = arith.addi %scan3A_49, %scan3A_50 : i32
      %scan3A_52 = arith.constant 1 : i32
      scf.for %scan3A_68 = %scan3A_49 to %scan3A_51 step %scan3A_52  : i32 {
        %mul3A_69 = arith.constant 2 : i32
        %mul3A_70 = arith.muli %mul3A_69, %scan3A_68 : i32
        %dma_wait3A_71 = arith.constant 0 : i32
        %dma_wait3A_72 = tpu.memref_slice %arg6[%mul3A_70, %dma_wait3A_71] : memref<40x128xi32, #tpu.memory_space<vmem>> -> memref<1x128xi32, #tpu.memory_space<vmem>>
        %dma_wait3A_73 = tpu.memref_squeeze %dma_wait3A_72 : memref<1x128xi32, #tpu.memory_space<vmem>> -> memref<128xi32, #tpu.memory_space<vmem>>
        %dma_wait3A_74 = arith.constant 0 : i32
        %dma_wait3A_75 = arith.constant 0 : i32
        %dma_wait3A_76 = tpu.memref_slice %arg2[%dma_wait3A_74, %dma_wait3A_75] : memref<20480x128xf32, #tpu.memory_space<hbm>> -> memref<20480x128xf32, #tpu.memory_space<hbm>>
        tpu.wait_indirect_dma semaphore(%arg11 : memref<!tpu.dma_semaphore, #tpu.memory_space<semaphore_mem>>) src(%dma_wait3A_76 : memref<20480x128xf32, #tpu.memory_space<hbm>>) dst(%arg8 : memref<128x128xf32, #tpu.memory_space<vmem>>)
        "tpu.region"() ({
          %run_scoped3A_103 = tpu.sem_alloc : memref<!tpu.dma_semaphore, #tpu.memory_space<semaphore_mem>>
          %dma_start3A_104 = arith.constant 0 : i32
          %dma_start3A_105 = tpu.memref_slice %arg7[%mul3A_70, %dma_start3A_104] : memref<40x128xi32, #tpu.memory_space<vmem>> -> memref<1x128xi32, #tpu.memory_space<vmem>>
          %dma_start3A_106 = tpu.memref_squeeze %dma_start3A_105 : memref<1x128xi32, #tpu.memory_space<vmem>> -> memref<128xi32, #tpu.memory_space<vmem>>
          %dma_start3A_107 = arith.constant 0 : i32
          %dma_start3A_108 = arith.constant 0 : i32
          %dma_start3A_109 = tpu.memref_slice %arg10[%dma_start3A_107, %dma_start3A_108] : memref<10240x128xf32, #tpu.memory_space<vmem_shared>> -> memref<10240x128xf32, #tpu.memory_space<vmem_shared>>
          tpu.enqueue_indirect_dma source(%arg8 : memref<128x128xf32, #tpu.memory_space<vmem>>) target(%dma_start3A_109 : memref<10240x128xf32, #tpu.memory_space<vmem_shared>>) offsets(%dma_start3A_106 : memref<128xi32, #tpu.memory_space<vmem>>) semaphore(%run_scoped3A_103 : memref<!tpu.dma_semaphore, #tpu.memory_space<semaphore_mem>>) {add = true}
          %dma_wait3A_110 = arith.constant 0 : i32
          %dma_wait3A_111 = tpu.memref_slice %arg7[%mul3A_70, %dma_wait3A_110] : memref<40x128xi32, #tpu.memory_space<vmem>> -> memref<1x128xi32, #tpu.memory_space<vmem>>
          %dma_wait3A_112 = tpu.memref_squeeze %dma_wait3A_111 : memref<1x128xi32, #tpu.memory_space<vmem>> -> memref<128xi32, #tpu.memory_space<vmem>>
          %dma_wait3A_113 = arith.constant 0 : i32
          %dma_wait3A_114 = arith.constant 0 : i32
          %dma_wait3A_115 = tpu.memref_slice %arg10[%dma_wait3A_113, %dma_wait3A_114] : memref<10240x128xf32, #tpu.memory_space<vmem_shared>> -> memref<10240x128xf32, #tpu.memory_space<vmem_shared>>
          tpu.wait_indirect_dma semaphore(%run_scoped3A_103 : memref<!tpu.dma_semaphore, #tpu.memory_space<semaphore_mem>>) src(%arg8 : memref<128x128xf32, #tpu.memory_space<vmem>>) dst(%dma_wait3A_115 : memref<10240x128xf32, #tpu.memory_space<vmem_shared>>)
          tpu.yield
        }) : () -> ()
        %add3A_77 = arith.constant 2 : i32
        %add3A_78 = arith.addi %mul3A_70, %add3A_77 : i32
        %dma_start3A_79 = arith.constant 0 : i32
        %dma_start3A_80 = tpu.memref_slice %arg6[%add3A_78, %dma_start3A_79] : memref<40x128xi32, #tpu.memory_space<vmem>> -> memref<1x128xi32, #tpu.memory_space<vmem>>
        %dma_start3A_81 = tpu.memref_squeeze %dma_start3A_80 : memref<1x128xi32, #tpu.memory_space<vmem>> -> memref<128xi32, #tpu.memory_space<vmem>>
        %dma_start3A_82 = arith.constant 0 : i32
        %dma_start3A_83 = arith.constant 0 : i32
        %dma_start3A_84 = tpu.memref_slice %arg2[%dma_start3A_82, %dma_start3A_83] : memref<20480x128xf32, #tpu.memory_space<hbm>> -> memref<20480x128xf32, #tpu.memory_space<hbm>>
        tpu.enqueue_indirect_dma source(%dma_start3A_84 : memref<20480x128xf32, #tpu.memory_space<hbm>>) target(%arg8 : memref<128x128xf32, #tpu.memory_space<vmem>>) offsets(%dma_start3A_81 : memref<128xi32, #tpu.memory_space<vmem>>) semaphore(%arg11 : memref<!tpu.dma_semaphore, #tpu.memory_space<semaphore_mem>>)
        %add3A_85 = arith.constant 1 : i32
        %add3A_86 = arith.addi %mul3A_70, %add3A_85 : i32
        %dma_wait3A_87 = arith.constant 0 : i32
        %dma_wait3A_88 = tpu.memref_slice %arg6[%add3A_86, %dma_wait3A_87] : memref<40x128xi32, #tpu.memory_space<vmem>> -> memref<1x128xi32, #tpu.memory_space<vmem>>
        %dma_wait3A_89 = tpu.memref_squeeze %dma_wait3A_88 : memref<1x128xi32, #tpu.memory_space<vmem>> -> memref<128xi32, #tpu.memory_space<vmem>>
        %dma_wait3A_90 = arith.constant 0 : i32
        %dma_wait3A_91 = arith.constant 0 : i32
        %dma_wait3A_92 = tpu.memref_slice %arg2[%dma_wait3A_90, %dma_wait3A_91] : memref<20480x128xf32, #tpu.memory_space<hbm>> -> memref<20480x128xf32, #tpu.memory_space<hbm>>
        tpu.wait_indirect_dma semaphore(%arg12 : memref<!tpu.dma_semaphore, #tpu.memory_space<semaphore_mem>>) src(%dma_wait3A_92 : memref<20480x128xf32, #tpu.memory_space<hbm>>) dst(%arg9 : memref<128x128xf32, #tpu.memory_space<vmem>>)
        %add3A_93 = arith.constant 1 : i32
        %add3A_94 = arith.addi %mul3A_70, %add3A_93 : i32
        "tpu.region"() ({
          %run_scoped3A_103 = tpu.sem_alloc : memref<!tpu.dma_semaphore, #tpu.memory_space<semaphore_mem>>
          %dma_start3A_104 = arith.constant 0 : i32
          %dma_start3A_105 = tpu.memref_slice %arg7[%add3A_94, %dma_start3A_104] : memref<40x128xi32, #tpu.memory_space<vmem>> -> memref<1x128xi32, #tpu.memory_space<vmem>>
          %dma_start3A_106 = tpu.memref_squeeze %dma_start3A_105 : memref<1x128xi32, #tpu.memory_space<vmem>> -> memref<128xi32, #tpu.memory_space<vmem>>
          %dma_start3A_107 = arith.constant 0 : i32
          %dma_start3A_108 = arith.constant 0 : i32
          %dma_start3A_109 = tpu.memref_slice %arg10[%dma_start3A_107, %dma_start3A_108] : memref<10240x128xf32, #tpu.memory_space<vmem_shared>> -> memref<10240x128xf32, #tpu.memory_space<vmem_shared>>
          tpu.enqueue_indirect_dma source(%arg9 : memref<128x128xf32, #tpu.memory_space<vmem>>) target(%dma_start3A_109 : memref<10240x128xf32, #tpu.memory_space<vmem_shared>>) offsets(%dma_start3A_106 : memref<128xi32, #tpu.memory_space<vmem>>) semaphore(%run_scoped3A_103 : memref<!tpu.dma_semaphore, #tpu.memory_space<semaphore_mem>>) {add = true}
          %dma_wait3A_110 = arith.constant 0 : i32
          %dma_wait3A_111 = tpu.memref_slice %arg7[%add3A_94, %dma_wait3A_110] : memref<40x128xi32, #tpu.memory_space<vmem>> -> memref<1x128xi32, #tpu.memory_space<vmem>>
          %dma_wait3A_112 = tpu.memref_squeeze %dma_wait3A_111 : memref<1x128xi32, #tpu.memory_space<vmem>> -> memref<128xi32, #tpu.memory_space<vmem>>
          %dma_wait3A_113 = arith.constant 0 : i32
          %dma_wait3A_114 = arith.constant 0 : i32
          %dma_wait3A_115 = tpu.memref_slice %arg10[%dma_wait3A_113, %dma_wait3A_114] : memref<10240x128xf32, #tpu.memory_space<vmem_shared>> -> memref<10240x128xf32, #tpu.memory_space<vmem_shared>>
          tpu.wait_indirect_dma semaphore(%run_scoped3A_103 : memref<!tpu.dma_semaphore, #tpu.memory_space<semaphore_mem>>) src(%arg9 : memref<128x128xf32, #tpu.memory_space<vmem>>) dst(%dma_wait3A_115 : memref<10240x128xf32, #tpu.memory_space<vmem_shared>>)
          tpu.yield
        }) : () -> ()
        %add3A_95 = arith.constant 3 : i32
        %add3A_96 = arith.addi %mul3A_70, %add3A_95 : i32
        %dma_start3A_97 = arith.constant 0 : i32
        %dma_start3A_98 = tpu.memref_slice %arg6[%add3A_96, %dma_start3A_97] : memref<40x128xi32, #tpu.memory_space<vmem>> -> memref<1x128xi32, #tpu.memory_space<vmem>>
        %dma_start3A_99 = tpu.memref_squeeze %dma_start3A_98 : memref<1x128xi32, #tpu.memory_space<vmem>> -> memref<128xi32, #tpu.memory_space<vmem>>
        %dma_start3A_100 = arith.constant 0 : i32
        %dma_start3A_101 = arith.constant 0 : i32
        %dma_start3A_102 = tpu.memref_slice %arg2[%dma_start3A_100, %dma_start3A_101] : memref<20480x128xf32, #tpu.memory_space<hbm>> -> memref<20480x128xf32, #tpu.memory_space<hbm>>
        tpu.enqueue_indirect_dma source(%dma_start3A_102 : memref<20480x128xf32, #tpu.memory_space<hbm>>) target(%arg9 : memref<128x128xf32, #tpu.memory_space<vmem>>) offsets(%dma_start3A_99 : memref<128xi32, #tpu.memory_space<vmem>>) semaphore(%arg12 : memref<!tpu.dma_semaphore, #tpu.memory_space<semaphore_mem>>)
      }
      %scan3A_53 = arith.constant 19 : i32
      %dma_wait3A = arith.constant 38 : i32
      %dma_wait3A_54 = arith.constant 0 : i32
      %dma_wait3A_55 = tpu.memref_slice %arg6[%dma_wait3A, %dma_wait3A_54] : memref<40x128xi32, #tpu.memory_space<vmem>> -> memref<1x128xi32, #tpu.memory_space<vmem>>
      %dma_wait3A_56 = tpu.memref_squeeze %dma_wait3A_55 : memref<1x128xi32, #tpu.memory_space<vmem>> -> memref<128xi32, #tpu.memory_space<vmem>>
      %dma_wait3A_57 = arith.constant 0 : i32
      %dma_wait3A_58 = arith.constant 0 : i32
      %dma_wait3A_59 = tpu.memref_slice %arg2[%dma_wait3A_57, %dma_wait3A_58] : memref<20480x128xf32, #tpu.memory_space<hbm>> -> memref<20480x128xf32, #tpu.memory_space<hbm>>
      tpu.wait_indirect_dma semaphore(%arg11 : memref<!tpu.dma_semaphore, #tpu.memory_space<semaphore_mem>>) src(%dma_wait3A_59 : memref<20480x128xf32, #tpu.memory_space<hbm>>) dst(%arg8 : memref<128x128xf32, #tpu.memory_space<vmem>>)
      %run_scoped3A = arith.constant 38 : i32
      "tpu.region"() ({
        %run_scoped3A_68 = tpu.sem_alloc : memref<!tpu.dma_semaphore, #tpu.memory_space<semaphore_mem>>
        %dma_start3A_69 = arith.constant 0 : i32
        %dma_start3A_70 = tpu.memref_slice %arg7[%run_scoped3A, %dma_start3A_69] : memref<40x128xi32, #tpu.memory_space<vmem>> -> memref<1x128xi32, #tpu.memory_space<vmem>>
        %dma_start3A_71 = tpu.memref_squeeze %dma_start3A_70 : memref<1x128xi32, #tpu.memory_space<vmem>> -> memref<128xi32, #tpu.memory_space<vmem>>
        %dma_start3A_72 = arith.constant 0 : i32
        %dma_start3A_73 = arith.constant 0 : i32
        %dma_start3A_74 = tpu.memref_slice %arg10[%dma_start3A_72, %dma_start3A_73] : memref<10240x128xf32, #tpu.memory_space<vmem_shared>> -> memref<10240x128xf32, #tpu.memory_space<vmem_shared>>
        tpu.enqueue_indirect_dma source(%arg8 : memref<128x128xf32, #tpu.memory_space<vmem>>) target(%dma_start3A_74 : memref<10240x128xf32, #tpu.memory_space<vmem_shared>>) offsets(%dma_start3A_71 : memref<128xi32, #tpu.memory_space<vmem>>) semaphore(%run_scoped3A_68 : memref<!tpu.dma_semaphore, #tpu.memory_space<semaphore_mem>>) {add = true}
        %dma_wait3A_75 = arith.constant 0 : i32
        %dma_wait3A_76 = tpu.memref_slice %arg7[%run_scoped3A, %dma_wait3A_75] : memref<40x128xi32, #tpu.memory_space<vmem>> -> memref<1x128xi32, #tpu.memory_space<vmem>>
        %dma_wait3A_77 = tpu.memref_squeeze %dma_wait3A_76 : memref<1x128xi32, #tpu.memory_space<vmem>> -> memref<128xi32, #tpu.memory_space<vmem>>
        %dma_wait3A_78 = arith.constant 0 : i32
        %dma_wait3A_79 = arith.constant 0 : i32
        %dma_wait3A_80 = tpu.memref_slice %arg10[%dma_wait3A_78, %dma_wait3A_79] : memref<10240x128xf32, #tpu.memory_space<vmem_shared>> -> memref<10240x128xf32, #tpu.memory_space<vmem_shared>>
        tpu.wait_indirect_dma semaphore(%run_scoped3A_68 : memref<!tpu.dma_semaphore, #tpu.memory_space<semaphore_mem>>) src(%arg8 : memref<128x128xf32, #tpu.memory_space<vmem>>) dst(%dma_wait3A_80 : memref<10240x128xf32, #tpu.memory_space<vmem_shared>>)
        tpu.yield
      }) : () -> ()
      %dma_wait3A_60 = arith.constant 39 : i32
      %dma_wait3A_61 = arith.constant 0 : i32
      %dma_wait3A_62 = tpu.memref_slice %arg6[%dma_wait3A_60, %dma_wait3A_61] : memref<40x128xi32, #tpu.memory_space<vmem>> -> memref<1x128xi32, #tpu.memory_space<vmem>>
      %dma_wait3A_63 = tpu.memref_squeeze %dma_wait3A_62 : memref<1x128xi32, #tpu.memory_space<vmem>> -> memref<128xi32, #tpu.memory_space<vmem>>
      %dma_wait3A_64 = arith.constant 0 : i32
      %dma_wait3A_65 = arith.constant 0 : i32
      %dma_wait3A_66 = tpu.memref_slice %arg2[%dma_wait3A_64, %dma_wait3A_65] : memref<20480x128xf32, #tpu.memory_space<hbm>> -> memref<20480x128xf32, #tpu.memory_space<hbm>>
      tpu.wait_indirect_dma semaphore(%arg12 : memref<!tpu.dma_semaphore, #tpu.memory_space<semaphore_mem>>) src(%dma_wait3A_66 : memref<20480x128xf32, #tpu.memory_space<hbm>>) dst(%arg9 : memref<128x128xf32, #tpu.memory_space<vmem>>)
      %run_scoped3A_67 = arith.constant 39 : i32
      "tpu.region"() ({
        %run_scoped3A_68 = tpu.sem_alloc : memref<!tpu.dma_semaphore, #tpu.memory_space<semaphore_mem>>
        %dma_start3A_69 = arith.constant 0 : i32
        %dma_start3A_70 = tpu.memref_slice %arg7[%run_scoped3A_67, %dma_start3A_69] : memref<40x128xi32, #tpu.memory_space<vmem>> -> memref<1x128xi32, #tpu.memory_space<vmem>>
        %dma_start3A_71 = tpu.memref_squeeze %dma_start3A_70 : memref<1x128xi32, #tpu.memory_space<vmem>> -> memref<128xi32, #tpu.memory_space<vmem>>
        %dma_start3A_72 = arith.constant 0 : i32
        %dma_start3A_73 = arith.constant 0 : i32
        %dma_start3A_74 = tpu.memref_slice %arg10[%dma_start3A_72, %dma_start3A_73] : memref<10240x128xf32, #tpu.memory_space<vmem_shared>> -> memref<10240x128xf32, #tpu.memory_space<vmem_shared>>
        tpu.enqueue_indirect_dma source(%arg9 : memref<128x128xf32, #tpu.memory_space<vmem>>) target(%dma_start3A_74 : memref<10240x128xf32, #tpu.memory_space<vmem_shared>>) offsets(%dma_start3A_71 : memref<128xi32, #tpu.memory_space<vmem>>) semaphore(%run_scoped3A_68 : memref<!tpu.dma_semaphore, #tpu.memory_space<semaphore_mem>>) {add = true}
        %dma_wait3A_75 = arith.constant 0 : i32
        %dma_wait3A_76 = tpu.memref_slice %arg7[%run_scoped3A_67, %dma_wait3A_75] : memref<40x128xi32, #tpu.memory_space<vmem>> -> memref<1x128xi32, #tpu.memory_space<vmem>>
        %dma_wait3A_77 = tpu.memref_squeeze %dma_wait3A_76 : memref<1x128xi32, #tpu.memory_space<vmem>> -> memref<128xi32, #tpu.memory_space<vmem>>
        %dma_wait3A_78 = arith.constant 0 : i32
        %dma_wait3A_79 = arith.constant 0 : i32
        %dma_wait3A_80 = tpu.memref_slice %arg10[%dma_wait3A_78, %dma_wait3A_79] : memref<10240x128xf32, #tpu.memory_space<vmem_shared>> -> memref<10240x128xf32, #tpu.memory_space<vmem_shared>>
        tpu.wait_indirect_dma semaphore(%run_scoped3A_68 : memref<!tpu.dma_semaphore, #tpu.memory_space<semaphore_mem>>) src(%arg9 : memref<128x128xf32, #tpu.memory_space<vmem>>) dst(%dma_wait3A_80 : memref<10240x128xf32, #tpu.memory_space<vmem_shared>>)
        tpu.yield
      }) : () -> ()
    }
    %scan3A_25 = arith.constant 4 : i32
    %barrier3A_26 = arith.constant 0 : index
    tpu.barrier barrier_id(%barrier3A_26)
    %mul3A_27 = arith.constant 128 : i32
    %mul3A_28 = arith.muli %arg0, %mul3A_27 : i32
    "tpu.region"() ({
      %run_scoped3A = tpu.sem_alloc : memref<!tpu.dma_semaphore, #tpu.memory_space<semaphore_mem>>
      %dma_start3A = tpu.memref_slice %arg5[%mul3A_10, %mul3A_28] : memref<10240x256xf32, #tpu.memory_space<hbm>> -> memref<640x128xf32, #tpu.memory_space<hbm>>
      %dma_start3A_29 = arith.constant 0 : i32
      %dma_start3A_30 = tpu.memref_slice %arg10[%mul3A_10, %dma_start3A_29] : memref<10240x128xf32, #tpu.memory_space<vmem_shared>> -> memref<640x128xf32, #tpu.memory_space<vmem_shared>>
      tpu.enqueue_dma source(%dma_start3A_30 : memref<640x128xf32, #tpu.memory_space<vmem_shared>>) target(%dma_start3A : memref<640x128xf32, #tpu.memory_space<hbm>>) target_semaphore(%run_scoped3A : memref<!tpu.dma_semaphore, #tpu.memory_space<semaphore_mem>>)
      %dma_wait3A = tpu.memref_slice %arg5[%mul3A_10, %mul3A_28] : memref<10240x256xf32, #tpu.memory_space<hbm>> -> memref<640x128xf32, #tpu.memory_space<hbm>>
      %dma_wait3A_31 = arith.constant 0 : i32
      %dma_wait3A_32 = tpu.memref_slice %arg10[%mul3A_10, %dma_wait3A_31] : memref<10240x128xf32, #tpu.memory_space<vmem_shared>> -> memref<640x128xf32, #tpu.memory_space<vmem_shared>>
      tpu.wait_dma2 semaphore(%run_scoped3A : memref<!tpu.dma_semaphore, #tpu.memory_space<semaphore_mem>>) src(%dma_wait3A_32 : memref<640x128xf32, #tpu.memory_space<vmem_shared>>) dst(%dma_wait3A : memref<640x128xf32, #tpu.memory_space<hbm>>)
      tpu.yield
    }) : () -> ()
    return
  }
}

#map = affine_map<(d0, d1) -> (0, 0)>
#map1 = affine_map<(d0, d1) -> (0)>
module attributes {stable_mosaic.version = 14 : i64} {
  func.func @_sc_seg1(%arg0: i32, %arg1: i32, %arg2: memref<10240x128xf32, #tpu.memory_space<hbm>>, %arg3: memref<2560x128xi32, #tpu.memory_space<hbm>>, %arg4: memref<2560x128xi32, #tpu.memory_space<hbm>>, %arg5: memref<20480x128xf32, #tpu.memory_space<hbm>>, %arg6: memref<20480xf32, #tpu.memory_space<hbm>>, %arg7: memref<40x128xi32, #tpu.memory_space<vmem>>, %arg8: memref<40x128xi32, #tpu.memory_space<vmem>>, %arg9: memref<128x128xf32, #tpu.memory_space<vmem>>, %arg10: memref<128x128xf32, #tpu.memory_space<vmem>>, %arg11: memref<128xf32, #tpu.memory_space<vmem>>, %arg12: memref<640xf32, #tpu.memory_space<vmem>>, %arg13: memref<10240x128xf32, #tpu.memory_space<vmem_shared>>, %arg14: memref<10240xf32, #tpu.memory_space<vmem_shared>>, %arg15: memref<!tpu.dma_semaphore, #tpu.memory_space<semaphore_mem>>, %arg16: memref<!tpu.dma_semaphore, #tpu.memory_space<semaphore_mem>>) attributes {dimension_semantics = [#tpu.dimension_semantics<core_parallel>, #tpu.dimension_semantics<subcore_parallel>], iteration_bounds = array<i64: 2, 16>, scalar_prefetch = 0 : i64, scratch_operands = 10 : i64, tpu.core_type = #tpu.core_type<sc_vector_subcore>, window_params = [{transform_indices = #map}, {transform_indices = #map}, {transform_indices = #map}, {transform_indices = #map}, {transform_indices = #map1}]} {
    %mul3A = arith.constant 16 : i32
    %mul3A_0 = arith.muli %arg0, %mul3A : i32
    %add3A = arith.addi %mul3A_0, %arg1 : i32
    %mul3A_1 = arith.constant 80 : i32
    %mul3A_2 = arith.muli %add3A, %mul3A_1 : i32
    %broadcast_in_dim3A = arith.constant 1.000000e+00 : f32
    %broadcast_in_dim3A_3 = vector.broadcast %broadcast_in_dim3A : f32 to vector<16xf32>
    %swap3A = arith.constant 0 : index
    %swap3A_4 = tpu.vector_load %arg11[%swap3A] {strides = array<i32>} : memref<128xf32, #tpu.memory_space<vmem>>, vector<16xf32>,
    %swap3A_5 = vector.shape_cast %swap3A_4 : vector<16xf32> to vector<16xf32>
    %swap3A_6 = vector.shape_cast %broadcast_in_dim3A_3 : vector<16xf32> to vector<16xf32>
    tpu.vector_store %arg11[%swap3A], %swap3A_6 {strides = array<i32>} : memref<128xf32, #tpu.memory_space<vmem>>, vector<16xf32>,
    %broadcast_in_dim3A_7 = arith.constant 1.000000e+00 : f32
    %broadcast_in_dim3A_8 = vector.broadcast %broadcast_in_dim3A_7 : f32 to vector<16xf32>
    %swap3A_9 = arith.constant 16 : index
    %swap3A_10 = tpu.vector_load %arg11[%swap3A_9] {strides = array<i32>} : memref<128xf32, #tpu.memory_space<vmem>>, vector<16xf32>,
    %swap3A_11 = vector.shape_cast %swap3A_10 : vector<16xf32> to vector<16xf32>
    %swap3A_12 = vector.shape_cast %broadcast_in_dim3A_8 : vector<16xf32> to vector<16xf32>
    tpu.vector_store %arg11[%swap3A_9], %swap3A_12 {strides = array<i32>} : memref<128xf32, #tpu.memory_space<vmem>>, vector<16xf32>,
    %broadcast_in_dim3A_13 = arith.constant 1.000000e+00 : f32
    %broadcast_in_dim3A_14 = vector.broadcast %broadcast_in_dim3A_13 : f32 to vector<16xf32>
    %swap3A_15 = arith.constant 32 : index
    %swap3A_16 = tpu.vector_load %arg11[%swap3A_15] {strides = array<i32>} : memref<128xf32, #tpu.memory_space<vmem>>, vector<16xf32>,
    %swap3A_17 = vector.shape_cast %swap3A_16 : vector<16xf32> to vector<16xf32>
    %swap3A_18 = vector.shape_cast %broadcast_in_dim3A_14 : vector<16xf32> to vector<16xf32>
    tpu.vector_store %arg11[%swap3A_15], %swap3A_18 {strides = array<i32>} : memref<128xf32, #tpu.memory_space<vmem>>, vector<16xf32>,
    %broadcast_in_dim3A_19 = arith.constant 1.000000e+00 : f32
    %broadcast_in_dim3A_20 = vector.broadcast %broadcast_in_dim3A_19 : f32 to vector<16xf32>
    %swap3A_21 = arith.constant 48 : index
    %swap3A_22 = tpu.vector_load %arg11[%swap3A_21] {strides = array<i32>} : memref<128xf32, #tpu.memory_space<vmem>>, vector<16xf32>,
    %swap3A_23 = vector.shape_cast %swap3A_22 : vector<16xf32> to vector<16xf32>
    %swap3A_24 = vector.shape_cast %broadcast_in_dim3A_20 : vector<16xf32> to vector<16xf32>
    tpu.vector_store %arg11[%swap3A_21], %swap3A_24 {strides = array<i32>} : memref<128xf32, #tpu.memory_space<vmem>>, vector<16xf32>,
    %broadcast_in_dim3A_25 = arith.constant 1.000000e+00 : f32
    %broadcast_in_dim3A_26 = vector.broadcast %broadcast_in_dim3A_25 : f32 to vector<16xf32>
    %swap3A_27 = arith.constant 64 : index
    %swap3A_28 = tpu.vector_load %arg11[%swap3A_27] {strides = array<i32>} : memref<128xf32, #tpu.memory_space<vmem>>, vector<16xf32>,
    %swap3A_29 = vector.shape_cast %swap3A_28 : vector<16xf32> to vector<16xf32>
    %swap3A_30 = vector.shape_cast %broadcast_in_dim3A_26 : vector<16xf32> to vector<16xf32>
    tpu.vector_store %arg11[%swap3A_27], %swap3A_30 {strides = array<i32>} : memref<128xf32, #tpu.memory_space<vmem>>, vector<16xf32>,
    %broadcast_in_dim3A_31 = arith.constant 1.000000e+00 : f32
    %broadcast_in_dim3A_32 = vector.broadcast %broadcast_in_dim3A_31 : f32 to vector<16xf32>
    %swap3A_33 = arith.constant 80 : index
    %swap3A_34 = tpu.vector_load %arg11[%swap3A_33] {strides = array<i32>} : memref<128xf32, #tpu.memory_space<vmem>>, vector<16xf32>,
    %swap3A_35 = vector.shape_cast %swap3A_34 : vector<16xf32> to vector<16xf32>
    %swap3A_36 = vector.shape_cast %broadcast_in_dim3A_32 : vector<16xf32> to vector<16xf32>
    tpu.vector_store %arg11[%swap3A_33], %swap3A_36 {strides = array<i32>} : memref<128xf32, #tpu.memory_space<vmem>>, vector<16xf32>,
    %broadcast_in_dim3A_37 = arith.constant 1.000000e+00 : f32
    %broadcast_in_dim3A_38 = vector.broadcast %broadcast_in_dim3A_37 : f32 to vector<16xf32>
    %swap3A_39 = arith.constant 96 : index
    %swap3A_40 = tpu.vector_load %arg11[%swap3A_39] {strides = array<i32>} : memref<128xf32, #tpu.memory_space<vmem>>, vector<16xf32>,
    %swap3A_41 = vector.shape_cast %swap3A_40 : vector<16xf32> to vector<16xf32>
    %swap3A_42 = vector.shape_cast %broadcast_in_dim3A_38 : vector<16xf32> to vector<16xf32>
    tpu.vector_store %arg11[%swap3A_39], %swap3A_42 {strides = array<i32>} : memref<128xf32, #tpu.memory_space<vmem>>, vector<16xf32>,
    %broadcast_in_dim3A_43 = arith.constant 1.000000e+00 : f32
    %broadcast_in_dim3A_44 = vector.broadcast %broadcast_in_dim3A_43 : f32 to vector<16xf32>
    %swap3A_45 = arith.constant 112 : index
    %swap3A_46 = tpu.vector_load %arg11[%swap3A_45] {strides = array<i32>} : memref<128xf32, #tpu.memory_space<vmem>>, vector<16xf32>,
    %swap3A_47 = vector.shape_cast %swap3A_46 : vector<16xf32> to vector<16xf32>
    %swap3A_48 = vector.shape_cast %broadcast_in_dim3A_44 : vector<16xf32> to vector<16xf32>
    tpu.vector_store %arg11[%swap3A_45], %swap3A_48 {strides = array<i32>} : memref<128xf32, #tpu.memory_space<vmem>>, vector<16xf32>,
    %scan3A = arith.constant 0 : i32
    %scan3A_49 = arith.constant 40 : i32
    %scan3A_50 = arith.addi %scan3A, %scan3A_49 : i32
    %scan3A_51 = arith.constant 1 : i32
    scf.for %scan3A_79 = %scan3A to %scan3A_50 step %scan3A_51  : i32 {
      %broadcast_in_dim3A_80 = arith.constant 0.000000e+00 : f32
      %broadcast_in_dim3A_81 = vector.broadcast %broadcast_in_dim3A_80 : f32 to vector<16xf32>
      %mul3A_82 = arith.constant 16 : i32
      %mul3A_83 = arith.muli %scan3A_79, %mul3A_82 : i32
      %swap3A_84 = arith.index_cast %mul3A_83 : i32 to index
      %swap3A_85 = tpu.vector_load %arg12[%swap3A_84] {strides = array<i32>} : memref<640xf32, #tpu.memory_space<vmem>>, vector<16xf32>,
      %swap3A_86 = vector.shape_cast %swap3A_85 : vector<16xf32> to vector<16xf32>
      %swap3A_87 = vector.shape_cast %broadcast_in_dim3A_81 : vector<16xf32> to vector<16xf32>
      tpu.vector_store %arg12[%swap3A_84], %swap3A_87 {strides = array<i32>} : memref<640xf32, #tpu.memory_space<vmem>>, vector<16xf32>,
    }
    %scan3A_52 = arith.constant 40 : i32
    %scan3A_53 = arith.constant 0 : i32
    %scan3A_54 = arith.constant 128 : i32
    %scan3A_55 = arith.addi %scan3A_53, %scan3A_54 : i32
    %scan3A_56 = arith.constant 1 : i32
    scf.for %scan3A_79 = %scan3A_53 to %scan3A_55 step %scan3A_56  : i32 {
      %broadcast_in_dim3A_80 = arith.constant 0.000000e+00 : f32
      %broadcast_in_dim3A_81 = vector.broadcast %broadcast_in_dim3A_80 : f32 to vector<16xf32>
      %swap3A_82 = arith.index_cast %scan3A_79 : i32 to index
      %swap3A_83 = arith.constant 0 : index
      %swap3A_84 = tpu.vector_load %arg9[%swap3A_82, %swap3A_83] {strides = array<i32>} : memref<128x128xf32, #tpu.memory_space<vmem>>, vector<1x16xf32>,
      %swap3A_85 = vector.shape_cast %swap3A_84 : vector<1x16xf32> to vector<16xf32>
      %swap3A_86 = vector.shape_cast %broadcast_in_dim3A_81 : vector<16xf32> to vector<1x16xf32>
      tpu.vector_store %arg9[%swap3A_82, %swap3A_83], %swap3A_86 {strides = array<i32>} : memref<128x128xf32, #tpu.memory_space<vmem>>, vector<1x16xf32>,
      %broadcast_in_dim3A_87 = arith.constant 0.000000e+00 : f32
      %broadcast_in_dim3A_88 = vector.broadcast %broadcast_in_dim3A_87 : f32 to vector<16xf32>
      %swap3A_89 = arith.index_cast %scan3A_79 : i32 to index
      %swap3A_90 = arith.constant 16 : index
      %swap3A_91 = tpu.vector_load %arg9[%swap3A_89, %swap3A_90] {strides = array<i32>} : memref<128x128xf32, #tpu.memory_space<vmem>>, vector<1x16xf32>,
      %swap3A_92 = vector.shape_cast %swap3A_91 : vector<1x16xf32> to vector<16xf32>
      %swap3A_93 = vector.shape_cast %broadcast_in_dim3A_88 : vector<16xf32> to vector<1x16xf32>
      tpu.vector_store %arg9[%swap3A_89, %swap3A_90], %swap3A_93 {strides = array<i32>} : memref<128x128xf32, #tpu.memory_space<vmem>>, vector<1x16xf32>,
      %broadcast_in_dim3A_94 = arith.constant 0.000000e+00 : f32
      %broadcast_in_dim3A_95 = vector.broadcast %broadcast_in_dim3A_94 : f32 to vector<16xf32>
      %swap3A_96 = arith.index_cast %scan3A_79 : i32 to index
      %swap3A_97 = arith.constant 32 : index
      %swap3A_98 = tpu.vector_load %arg9[%swap3A_96, %swap3A_97] {strides = array<i32>} : memref<128x128xf32, #tpu.memory_space<vmem>>, vector<1x16xf32>,
      %swap3A_99 = vector.shape_cast %swap3A_98 : vector<1x16xf32> to vector<16xf32>
      %swap3A_100 = vector.shape_cast %broadcast_in_dim3A_95 : vector<16xf32> to vector<1x16xf32>
      tpu.vector_store %arg9[%swap3A_96, %swap3A_97], %swap3A_100 {strides = array<i32>} : memref<128x128xf32, #tpu.memory_space<vmem>>, vector<1x16xf32>,
      %broadcast_in_dim3A_101 = arith.constant 0.000000e+00 : f32
      %broadcast_in_dim3A_102 = vector.broadcast %broadcast_in_dim3A_101 : f32 to vector<16xf32>
      %swap3A_103 = arith.index_cast %scan3A_79 : i32 to index
      %swap3A_104 = arith.constant 48 : index
      %swap3A_105 = tpu.vector_load %arg9[%swap3A_103, %swap3A_104] {strides = array<i32>} : memref<128x128xf32, #tpu.memory_space<vmem>>, vector<1x16xf32>,
      %swap3A_106 = vector.shape_cast %swap3A_105 : vector<1x16xf32> to vector<16xf32>
      %swap3A_107 = vector.shape_cast %broadcast_in_dim3A_102 : vector<16xf32> to vector<1x16xf32>
      tpu.vector_store %arg9[%swap3A_103, %swap3A_104], %swap3A_107 {strides = array<i32>} : memref<128x128xf32, #tpu.memory_space<vmem>>, vector<1x16xf32>,
      %broadcast_in_dim3A_108 = arith.constant 0.000000e+00 : f32
      %broadcast_in_dim3A_109 = vector.broadcast %broadcast_in_dim3A_108 : f32 to vector<16xf32>
      %swap3A_110 = arith.index_cast %scan3A_79 : i32 to index
      %swap3A_111 = arith.constant 64 : index
      %swap3A_112 = tpu.vector_load %arg9[%swap3A_110, %swap3A_111] {strides = array<i32>} : memref<128x128xf32, #tpu.memory_space<vmem>>, vector<1x16xf32>,
      %swap3A_113 = vector.shape_cast %swap3A_112 : vector<1x16xf32> to vector<16xf32>
      %swap3A_114 = vector.shape_cast %broadcast_in_dim3A_109 : vector<16xf32> to vector<1x16xf32>
      tpu.vector_store %arg9[%swap3A_110, %swap3A_111], %swap3A_114 {strides = array<i32>} : memref<128x128xf32, #tpu.memory_space<vmem>>, vector<1x16xf32>,
      %broadcast_in_dim3A_115 = arith.constant 0.000000e+00 : f32
      %broadcast_in_dim3A_116 = vector.broadcast %broadcast_in_dim3A_115 : f32 to vector<16xf32>
      %swap3A_117 = arith.index_cast %scan3A_79 : i32 to index
      %swap3A_118 = arith.constant 80 : index
      %swap3A_119 = tpu.vector_load %arg9[%swap3A_117, %swap3A_118] {strides = array<i32>} : memref<128x128xf32, #tpu.memory_space<vmem>>, vector<1x16xf32>,
      %swap3A_120 = vector.shape_cast %swap3A_119 : vector<1x16xf32> to vector<16xf32>
      %swap3A_121 = vector.shape_cast %broadcast_in_dim3A_116 : vector<16xf32> to vector<1x16xf32>
      tpu.vector_store %arg9[%swap3A_117, %swap3A_118], %swap3A_121 {strides = array<i32>} : memref<128x128xf32, #tpu.memory_space<vmem>>, vector<1x16xf32>,
      %broadcast_in_dim3A_122 = arith.constant 0.000000e+00 : f32
      %broadcast_in_dim3A_123 = vector.broadcast %broadcast_in_dim3A_122 : f32 to vector<16xf32>
      %swap3A_124 = arith.index_cast %scan3A_79 : i32 to index
      %swap3A_125 = arith.constant 96 : index
      %swap3A_126 = tpu.vector_load %arg9[%swap3A_124, %swap3A_125] {strides = array<i32>} : memref<128x128xf32, #tpu.memory_space<vmem>>, vector<1x16xf32>,
      %swap3A_127 = vector.shape_cast %swap3A_126 : vector<1x16xf32> to vector<16xf32>
      %swap3A_128 = vector.shape_cast %broadcast_in_dim3A_123 : vector<16xf32> to vector<1x16xf32>
      tpu.vector_store %arg9[%swap3A_124, %swap3A_125], %swap3A_128 {strides = array<i32>} : memref<128x128xf32, #tpu.memory_space<vmem>>, vector<1x16xf32>,
      %broadcast_in_dim3A_129 = arith.constant 0.000000e+00 : f32
      %broadcast_in_dim3A_130 = vector.broadcast %broadcast_in_dim3A_129 : f32 to vector<16xf32>
      %swap3A_131 = arith.index_cast %scan3A_79 : i32 to index
      %swap3A_132 = arith.constant 112 : index
      %swap3A_133 = tpu.vector_load %arg9[%swap3A_131, %swap3A_132] {strides = array<i32>} : memref<128x128xf32, #tpu.memory_space<vmem>>, vector<1x16xf32>,
      %swap3A_134 = vector.shape_cast %swap3A_133 : vector<1x16xf32> to vector<16xf32>
      %swap3A_135 = vector.shape_cast %broadcast_in_dim3A_130 : vector<16xf32> to vector<1x16xf32>
      tpu.vector_store %arg9[%swap3A_131, %swap3A_132], %swap3A_135 {strides = array<i32>} : memref<128x128xf32, #tpu.memory_space<vmem>>, vector<1x16xf32>,
    }
    %scan3A_57 = arith.constant 128 : i32
    %mul3A_58 = arith.constant 640 : i32
    %mul3A_59 = arith.muli %arg1, %mul3A_58 : i32
    %add3A_60 = arith.constant 0 : i32
    %add3A_61 = arith.addi %mul3A_59, %add3A_60 : i32
    "tpu.region"() ({
      %run_scoped3A = tpu.sem_alloc : memref<!tpu.dma_semaphore, #tpu.memory_space<semaphore_mem>>
      %dma_start3A = arith.constant 0 : i32
      %dma_start3A_79 = tpu.memref_slice %arg13[%add3A_61, %dma_start3A] : memref<10240x128xf32, #tpu.memory_space<vmem_shared>> -> memref<128x128xf32, #tpu.memory_space<vmem_shared>>
      %dma_start3A_80 = arith.constant 0 : i32
      %dma_start3A_81 = tpu.memref_slice %arg13[%add3A_61, %dma_start3A_80] : memref<10240x128xf32, #tpu.memory_space<vmem_shared>> -> memref<128x128xf32, #tpu.memory_space<vmem_shared>>
      tpu.enqueue_dma source(%arg9 : memref<128x128xf32, #tpu.memory_space<vmem>>) target(%dma_start3A_81 : memref<128x128xf32, #tpu.memory_space<vmem_shared>>) target_semaphore(%run_scoped3A : memref<!tpu.dma_semaphore, #tpu.memory_space<semaphore_mem>>)
      %dma_wait3A = arith.constant 0 : i32
      %dma_wait3A_82 = tpu.memref_slice %arg13[%add3A_61, %dma_wait3A] : memref<10240x128xf32, #tpu.memory_space<vmem_shared>> -> memref<128x128xf32, #tpu.memory_space<vmem_shared>>
      %dma_wait3A_83 = arith.constant 0 : i32
      %dma_wait3A_84 = tpu.memref_slice %arg13[%add3A_61, %dma_wait3A_83] : memref<10240x128xf32, #tpu.memory_space<vmem_shared>> -> memref<128x128xf32, #tpu.memory_space<vmem_shared>>
      tpu.wait_dma2 semaphore(%run_scoped3A : memref<!tpu.dma_semaphore, #tpu.memory_space<semaphore_mem>>) src(%arg9 : memref<128x128xf32, #tpu.memory_space<vmem>>) dst(%dma_wait3A_84 : memref<128x128xf32, #tpu.memory_space<vmem_shared>>)
      tpu.yield
    }) : () -> ()
    %add3A_62 = arith.constant 128 : i32
    %add3A_63 = arith.addi %mul3A_59, %add3A_62 : i32
    "tpu.region"() ({
      %run_scoped3A = tpu.sem_alloc : memref<!tpu.dma_semaphore, #tpu.memory_space<semaphore_mem>>
      %dma_start3A = arith.constant 0 : i32
      %dma_start3A_79 = tpu.memref_slice %arg13[%add3A_63, %dma_start3A] : memref<10240x128xf32, #tpu.memory_space<vmem_shared>> -> memref<128x128xf32, #tpu.memory_space<vmem_shared>>
      %dma_start3A_80 = arith.constant 0 : i32
      %dma_start3A_81 = tpu.memref_slice %arg13[%add3A_63, %dma_start3A_80] : memref<10240x128xf32, #tpu.memory_space<vmem_shared>> -> memref<128x128xf32, #tpu.memory_space<vmem_shared>>
      tpu.enqueue_dma source(%arg9 : memref<128x128xf32, #tpu.memory_space<vmem>>) target(%dma_start3A_81 : memref<128x128xf32, #tpu.memory_space<vmem_shared>>) target_semaphore(%run_scoped3A : memref<!tpu.dma_semaphore, #tpu.memory_space<semaphore_mem>>)
      %dma_wait3A = arith.constant 0 : i32
      %dma_wait3A_82 = tpu.memref_slice %arg13[%add3A_63, %dma_wait3A] : memref<10240x128xf32, #tpu.memory_space<vmem_shared>> -> memref<128x128xf32, #tpu.memory_space<vmem_shared>>
      %dma_wait3A_83 = arith.constant 0 : i32
      %dma_wait3A_84 = tpu.memref_slice %arg13[%add3A_63, %dma_wait3A_83] : memref<10240x128xf32, #tpu.memory_space<vmem_shared>> -> memref<128x128xf32, #tpu.memory_space<vmem_shared>>
      tpu.wait_dma2 semaphore(%run_scoped3A : memref<!tpu.dma_semaphore, #tpu.memory_space<semaphore_mem>>) src(%arg9 : memref<128x128xf32, #tpu.memory_space<vmem>>) dst(%dma_wait3A_84 : memref<128x128xf32, #tpu.memory_space<vmem_shared>>)
      tpu.yield
    }) : () -> ()
    %add3A_64 = arith.constant 256 : i32
    %add3A_65 = arith.addi %mul3A_59, %add3A_64 : i32
    "tpu.region"() ({
      %run_scoped3A = tpu.sem_alloc : memref<!tpu.dma_semaphore, #tpu.memory_space<semaphore_mem>>
      %dma_start3A = arith.constant 0 : i32
      %dma_start3A_79 = tpu.memref_slice %arg13[%add3A_65, %dma_start3A] : memref<10240x128xf32, #tpu.memory_space<vmem_shared>> -> memref<128x128xf32, #tpu.memory_space<vmem_shared>>
      %dma_start3A_80 = arith.constant 0 : i32
      %dma_start3A_81 = tpu.memref_slice %arg13[%add3A_65, %dma_start3A_80] : memref<10240x128xf32, #tpu.memory_space<vmem_shared>> -> memref<128x128xf32, #tpu.memory_space<vmem_shared>>
      tpu.enqueue_dma source(%arg9 : memref<128x128xf32, #tpu.memory_space<vmem>>) target(%dma_start3A_81 : memref<128x128xf32, #tpu.memory_space<vmem_shared>>) target_semaphore(%run_scoped3A : memref<!tpu.dma_semaphore, #tpu.memory_space<semaphore_mem>>)
      %dma_wait3A = arith.constant 0 : i32
      %dma_wait3A_82 = tpu.memref_slice %arg13[%add3A_65, %dma_wait3A] : memref<10240x128xf32, #tpu.memory_space<vmem_shared>> -> memref<128x128xf32, #tpu.memory_space<vmem_shared>>
      %dma_wait3A_83 = arith.constant 0 : i32
      %dma_wait3A_84 = tpu.memref_slice %arg13[%add3A_65, %dma_wait3A_83] : memref<10240x128xf32, #tpu.memory_space<vmem_shared>> -> memref<128x128xf32, #tpu.memory_space<vmem_shared>>
      tpu.wait_dma2 semaphore(%run_scoped3A : memref<!tpu.dma_semaphore, #tpu.memory_space<semaphore_mem>>) src(%arg9 : memref<128x128xf32, #tpu.memory_space<vmem>>) dst(%dma_wait3A_84 : memref<128x128xf32, #tpu.memory_space<vmem_shared>>)
      tpu.yield
    }) : () -> ()
    %add3A_66 = arith.constant 384 : i32
    %add3A_67 = arith.addi %mul3A_59, %add3A_66 : i32
    "tpu.region"() ({
      %run_scoped3A = tpu.sem_alloc : memref<!tpu.dma_semaphore, #tpu.memory_space<semaphore_mem>>
      %dma_start3A = arith.constant 0 : i32
      %dma_start3A_79 = tpu.memref_slice %arg13[%add3A_67, %dma_start3A] : memref<10240x128xf32, #tpu.memory_space<vmem_shared>> -> memref<128x128xf32, #tpu.memory_space<vmem_shared>>
      %dma_start3A_80 = arith.constant 0 : i32
      %dma_start3A_81 = tpu.memref_slice %arg13[%add3A_67, %dma_start3A_80] : memref<10240x128xf32, #tpu.memory_space<vmem_shared>> -> memref<128x128xf32, #tpu.memory_space<vmem_shared>>
      tpu.enqueue_dma source(%arg9 : memref<128x128xf32, #tpu.memory_space<vmem>>) target(%dma_start3A_81 : memref<128x128xf32, #tpu.memory_space<vmem_shared>>) target_semaphore(%run_scoped3A : memref<!tpu.dma_semaphore, #tpu.memory_space<semaphore_mem>>)
      %dma_wait3A = arith.constant 0 : i32
      %dma_wait3A_82 = tpu.memref_slice %arg13[%add3A_67, %dma_wait3A] : memref<10240x128xf32, #tpu.memory_space<vmem_shared>> -> memref<128x128xf32, #tpu.memory_space<vmem_shared>>
      %dma_wait3A_83 = arith.constant 0 : i32
      %dma_wait3A_84 = tpu.memref_slice %arg13[%add3A_67, %dma_wait3A_83] : memref<10240x128xf32, #tpu.memory_space<vmem_shared>> -> memref<128x128xf32, #tpu.memory_space<vmem_shared>>
      tpu.wait_dma2 semaphore(%run_scoped3A : memref<!tpu.dma_semaphore, #tpu.memory_space<semaphore_mem>>) src(%arg9 : memref<128x128xf32, #tpu.memory_space<vmem>>) dst(%dma_wait3A_84 : memref<128x128xf32, #tpu.memory_space<vmem_shared>>)
      tpu.yield
    }) : () -> ()
    %add3A_68 = arith.constant 512 : i32
    %add3A_69 = arith.addi %mul3A_59, %add3A_68 : i32
    "tpu.region"() ({
      %run_scoped3A = tpu.sem_alloc : memref<!tpu.dma_semaphore, #tpu.memory_space<semaphore_mem>>
      %dma_start3A = arith.constant 0 : i32
      %dma_start3A_79 = tpu.memref_slice %arg13[%add3A_69, %dma_start3A] : memref<10240x128xf32, #tpu.memory_space<vmem_shared>> -> memref<128x128xf32, #tpu.memory_space<vmem_shared>>
      %dma_start3A_80 = arith.constant 0 : i32
      %dma_start3A_81 = tpu.memref_slice %arg13[%add3A_69, %dma_start3A_80] : memref<10240x128xf32, #tpu.memory_space<vmem_shared>> -> memref<128x128xf32, #tpu.memory_space<vmem_shared>>
      tpu.enqueue_dma source(%arg9 : memref<128x128xf32, #tpu.memory_space<vmem>>) target(%dma_start3A_81 : memref<128x128xf32, #tpu.memory_space<vmem_shared>>) target_semaphore(%run_scoped3A : memref<!tpu.dma_semaphore, #tpu.memory_space<semaphore_mem>>)
      %dma_wait3A = arith.constant 0 : i32
      %dma_wait3A_82 = tpu.memref_slice %arg13[%add3A_69, %dma_wait3A] : memref<10240x128xf32, #tpu.memory_space<vmem_shared>> -> memref<128x128xf32, #tpu.memory_space<vmem_shared>>
      %dma_wait3A_83 = arith.constant 0 : i32
      %dma_wait3A_84 = tpu.memref_slice %arg13[%add3A_69, %dma_wait3A_83] : memref<10240x128xf32, #tpu.memory_space<vmem_shared>> -> memref<128x128xf32, #tpu.memory_space<vmem_shared>>
      tpu.wait_dma2 semaphore(%run_scoped3A : memref<!tpu.dma_semaphore, #tpu.memory_space<semaphore_mem>>) src(%arg9 : memref<128x128xf32, #tpu.memory_space<vmem>>) dst(%dma_wait3A_84 : memref<128x128xf32, #tpu.memory_space<vmem_shared>>)
      tpu.yield
    }) : () -> ()
    "tpu.region"() ({
      %run_scoped3A = tpu.sem_alloc : memref<!tpu.dma_semaphore, #tpu.memory_space<semaphore_mem>>
      %dma_start3A = tpu.memref_slice %arg14[%mul3A_59] : memref<10240xf32, #tpu.memory_space<vmem_shared>> -> memref<640xf32, #tpu.memory_space<vmem_shared>>
      %dma_start3A_79 = tpu.memref_slice %arg14[%mul3A_59] : memref<10240xf32, #tpu.memory_space<vmem_shared>> -> memref<640xf32, #tpu.memory_space<vmem_shared>>
      tpu.enqueue_dma source(%arg12 : memref<640xf32, #tpu.memory_space<vmem>>) target(%dma_start3A_79 : memref<640xf32, #tpu.memory_space<vmem_shared>>) target_semaphore(%run_scoped3A : memref<!tpu.dma_semaphore, #tpu.memory_space<semaphore_mem>>)
      %dma_wait3A = tpu.memref_slice %arg14[%mul3A_59] : memref<10240xf32, #tpu.memory_space<vmem_shared>> -> memref<640xf32, #tpu.memory_space<vmem_shared>>
      %dma_wait3A_80 = tpu.memref_slice %arg14[%mul3A_59] : memref<10240xf32, #tpu.memory_space<vmem_shared>> -> memref<640xf32, #tpu.memory_space<vmem_shared>>
      tpu.wait_dma2 semaphore(%run_scoped3A : memref<!tpu.dma_semaphore, #tpu.memory_space<semaphore_mem>>) src(%arg12 : memref<640xf32, #tpu.memory_space<vmem>>) dst(%dma_wait3A_80 : memref<640xf32, #tpu.memory_space<vmem_shared>>)
      tpu.yield
    }) : () -> ()
    %barrier3A = arith.constant 0 : index
    tpu.barrier barrier_id(%barrier3A)
    %scan3A_70 = arith.constant 0 : i32
    %scan3A_71 = arith.constant 2 : i32
    %scan3A_72 = arith.addi %scan3A_70, %scan3A_71 : i32
    %scan3A_73 = arith.constant 1 : i32
    scf.for %scan3A_79 = %scan3A_70 to %scan3A_72 step %scan3A_73  : i32 {
      %mul3A_80 = arith.constant 40 : i32
      %mul3A_81 = arith.muli %scan3A_79, %mul3A_80 : i32
      %add3A_82 = arith.addi %mul3A_2, %mul3A_81 : i32
      "tpu.region"() ({
        %run_scoped3A_117 = tpu.sem_alloc : memref<!tpu.dma_semaphore, #tpu.memory_space<semaphore_mem>>
        %dma_start3A_118 = arith.constant 0 : i32
        %dma_start3A_119 = tpu.memref_slice %arg3[%add3A_82, %dma_start3A_118] : memref<2560x128xi32, #tpu.memory_space<hbm>> -> memref<40x128xi32, #tpu.memory_space<hbm>>
        %dma_start3A_120 = arith.constant 0 : i32
        %dma_start3A_121 = tpu.memref_slice %arg3[%add3A_82, %dma_start3A_120] : memref<2560x128xi32, #tpu.memory_space<hbm>> -> memref<40x128xi32, #tpu.memory_space<hbm>>
        tpu.enqueue_dma source(%dma_start3A_121 : memref<40x128xi32, #tpu.memory_space<hbm>>) target(%arg7 : memref<40x128xi32, #tpu.memory_space<vmem>>) target_semaphore(%run_scoped3A_117 : memref<!tpu.dma_semaphore, #tpu.memory_space<semaphore_mem>>)
        %dma_wait3A_122 = arith.constant 0 : i32
        %dma_wait3A_123 = tpu.memref_slice %arg3[%add3A_82, %dma_wait3A_122] : memref<2560x128xi32, #tpu.memory_space<hbm>> -> memref<40x128xi32, #tpu.memory_space<hbm>>
        %dma_wait3A_124 = arith.constant 0 : i32
        %dma_wait3A_125 = tpu.memref_slice %arg3[%add3A_82, %dma_wait3A_124] : memref<2560x128xi32, #tpu.memory_space<hbm>> -> memref<40x128xi32, #tpu.memory_space<hbm>>
        tpu.wait_dma2 semaphore(%run_scoped3A_117 : memref<!tpu.dma_semaphore, #tpu.memory_space<semaphore_mem>>) src(%dma_wait3A_125 : memref<40x128xi32, #tpu.memory_space<hbm>>) dst(%arg7 : memref<40x128xi32, #tpu.memory_space<vmem>>)
        tpu.yield
      }) : () -> ()
      "tpu.region"() ({
        %run_scoped3A_117 = tpu.sem_alloc : memref<!tpu.dma_semaphore, #tpu.memory_space<semaphore_mem>>
        %dma_start3A_118 = arith.constant 0 : i32
        %dma_start3A_119 = tpu.memref_slice %arg4[%add3A_82, %dma_start3A_118] : memref<2560x128xi32, #tpu.memory_space<hbm>> -> memref<40x128xi32, #tpu.memory_space<hbm>>
        %dma_start3A_120 = arith.constant 0 : i32
        %dma_start3A_121 = tpu.memref_slice %arg4[%add3A_82, %dma_start3A_120] : memref<2560x128xi32, #tpu.memory_space<hbm>> -> memref<40x128xi32, #tpu.memory_space<hbm>>
        tpu.enqueue_dma source(%dma_start3A_121 : memref<40x128xi32, #tpu.memory_space<hbm>>) target(%arg8 : memref<40x128xi32, #tpu.memory_space<vmem>>) target_semaphore(%run_scoped3A_117 : memref<!tpu.dma_semaphore, #tpu.memory_space<semaphore_mem>>)
        %dma_wait3A_122 = arith.constant 0 : i32
        %dma_wait3A_123 = tpu.memref_slice %arg4[%add3A_82, %dma_wait3A_122] : memref<2560x128xi32, #tpu.memory_space<hbm>> -> memref<40x128xi32, #tpu.memory_space<hbm>>
        %dma_wait3A_124 = arith.constant 0 : i32
        %dma_wait3A_125 = tpu.memref_slice %arg4[%add3A_82, %dma_wait3A_124] : memref<2560x128xi32, #tpu.memory_space<hbm>> -> memref<40x128xi32, #tpu.memory_space<hbm>>
        tpu.wait_dma2 semaphore(%run_scoped3A_117 : memref<!tpu.dma_semaphore, #tpu.memory_space<semaphore_mem>>) src(%dma_wait3A_125 : memref<40x128xi32, #tpu.memory_space<hbm>>) dst(%arg8 : memref<40x128xi32, #tpu.memory_space<vmem>>)
        tpu.yield
      }) : () -> ()
      %dma_start3A = arith.constant 0 : i32
      %dma_start3A_83 = arith.constant 0 : i32
      %dma_start3A_84 = tpu.memref_slice %arg7[%dma_start3A, %dma_start3A_83] : memref<40x128xi32, #tpu.memory_space<vmem>> -> memref<1x128xi32, #tpu.memory_space<vmem>>
      %dma_start3A_85 = tpu.memref_squeeze %dma_start3A_84 : memref<1x128xi32, #tpu.memory_space<vmem>> -> memref<128xi32, #tpu.memory_space<vmem>>
      %dma_start3A_86 = arith.constant 0 : i32
      %dma_start3A_87 = arith.constant 0 : i32
      %dma_start3A_88 = tpu.memref_slice %arg2[%dma_start3A_86, %dma_start3A_87] : memref<10240x128xf32, #tpu.memory_space<hbm>> -> memref<10240x128xf32, #tpu.memory_space<hbm>>
      tpu.enqueue_indirect_dma source(%dma_start3A_88 : memref<10240x128xf32, #tpu.memory_space<hbm>>) target(%arg9 : memref<128x128xf32, #tpu.memory_space<vmem>>) offsets(%dma_start3A_85 : memref<128xi32, #tpu.memory_space<vmem>>) semaphore(%arg15 : memref<!tpu.dma_semaphore, #tpu.memory_space<semaphore_mem>>)
      %dma_start3A_89 = arith.constant 1 : i32
      %dma_start3A_90 = arith.constant 0 : i32
      %dma_start3A_91 = tpu.memref_slice %arg7[%dma_start3A_89, %dma_start3A_90] : memref<40x128xi32, #tpu.memory_space<vmem>> -> memref<1x128xi32, #tpu.memory_space<vmem>>
      %dma_start3A_92 = tpu.memref_squeeze %dma_start3A_91 : memref<1x128xi32, #tpu.memory_space<vmem>> -> memref<128xi32, #tpu.memory_space<vmem>>
      %dma_start3A_93 = arith.constant 0 : i32
      %dma_start3A_94 = arith.constant 0 : i32
      %dma_start3A_95 = tpu.memref_slice %arg2[%dma_start3A_93, %dma_start3A_94] : memref<10240x128xf32, #tpu.memory_space<hbm>> -> memref<10240x128xf32, #tpu.memory_space<hbm>>
      tpu.enqueue_indirect_dma source(%dma_start3A_95 : memref<10240x128xf32, #tpu.memory_space<hbm>>) target(%arg10 : memref<128x128xf32, #tpu.memory_space<vmem>>) offsets(%dma_start3A_92 : memref<128xi32, #tpu.memory_space<vmem>>) semaphore(%arg16 : memref<!tpu.dma_semaphore, #tpu.memory_space<semaphore_mem>>)
      %scan3A_96 = arith.constant 0 : i32
      %scan3A_97 = arith.constant 19 : i32
      %scan3A_98 = arith.addi %scan3A_96, %scan3A_97 : i32
      %scan3A_99 = arith.constant 1 : i32
      scf.for %scan3A_117 = %scan3A_96 to %scan3A_98 step %scan3A_99  : i32 {
        %mul3A_118 = arith.constant 2 : i32
        %mul3A_119 = arith.muli %mul3A_118, %scan3A_117 : i32
        %dma_wait3A_120 = arith.constant 0 : i32
        %dma_wait3A_121 = tpu.memref_slice %arg7[%mul3A_119, %dma_wait3A_120] : memref<40x128xi32, #tpu.memory_space<vmem>> -> memref<1x128xi32, #tpu.memory_space<vmem>>
        %dma_wait3A_122 = tpu.memref_squeeze %dma_wait3A_121 : memref<1x128xi32, #tpu.memory_space<vmem>> -> memref<128xi32, #tpu.memory_space<vmem>>
        %dma_wait3A_123 = arith.constant 0 : i32
        %dma_wait3A_124 = arith.constant 0 : i32
        %dma_wait3A_125 = tpu.memref_slice %arg2[%dma_wait3A_123, %dma_wait3A_124] : memref<10240x128xf32, #tpu.memory_space<hbm>> -> memref<10240x128xf32, #tpu.memory_space<hbm>>
        tpu.wait_indirect_dma semaphore(%arg15 : memref<!tpu.dma_semaphore, #tpu.memory_space<semaphore_mem>>) src(%dma_wait3A_125 : memref<10240x128xf32, #tpu.memory_space<hbm>>) dst(%arg9 : memref<128x128xf32, #tpu.memory_space<vmem>>)
        "tpu.region"() ({
          %run_scoped3A_154 = tpu.sem_alloc : memref<!tpu.dma_semaphore, #tpu.memory_space<semaphore_mem>>
          %dma_start3A_155 = arith.constant 0 : i32
          %dma_start3A_156 = tpu.memref_slice %arg8[%mul3A_119, %dma_start3A_155] : memref<40x128xi32, #tpu.memory_space<vmem>> -> memref<1x128xi32, #tpu.memory_space<vmem>>
          %dma_start3A_157 = tpu.memref_squeeze %dma_start3A_156 : memref<1x128xi32, #tpu.memory_space<vmem>> -> memref<128xi32, #tpu.memory_space<vmem>>
          %dma_start3A_158 = arith.constant 0 : i32
          %dma_start3A_159 = arith.constant 0 : i32
          %dma_start3A_160 = tpu.memref_slice %arg13[%dma_start3A_158, %dma_start3A_159] : memref<10240x128xf32, #tpu.memory_space<vmem_shared>> -> memref<10240x128xf32, #tpu.memory_space<vmem_shared>>
          tpu.enqueue_indirect_dma source(%arg9 : memref<128x128xf32, #tpu.memory_space<vmem>>) target(%dma_start3A_160 : memref<10240x128xf32, #tpu.memory_space<vmem_shared>>) offsets(%dma_start3A_157 : memref<128xi32, #tpu.memory_space<vmem>>) semaphore(%run_scoped3A_154 : memref<!tpu.dma_semaphore, #tpu.memory_space<semaphore_mem>>) {add = true}
          %dma_wait3A_161 = arith.constant 0 : i32
          %dma_wait3A_162 = tpu.memref_slice %arg8[%mul3A_119, %dma_wait3A_161] : memref<40x128xi32, #tpu.memory_space<vmem>> -> memref<1x128xi32, #tpu.memory_space<vmem>>
          %dma_wait3A_163 = tpu.memref_squeeze %dma_wait3A_162 : memref<1x128xi32, #tpu.memory_space<vmem>> -> memref<128xi32, #tpu.memory_space<vmem>>
          %dma_wait3A_164 = arith.constant 0 : i32
          %dma_wait3A_165 = arith.constant 0 : i32
          %dma_wait3A_166 = tpu.memref_slice %arg13[%dma_wait3A_164, %dma_wait3A_165] : memref<10240x128xf32, #tpu.memory_space<vmem_shared>> -> memref<10240x128xf32, #tpu.memory_space<vmem_shared>>
          tpu.wait_indirect_dma semaphore(%run_scoped3A_154 : memref<!tpu.dma_semaphore, #tpu.memory_space<semaphore_mem>>) src(%arg9 : memref<128x128xf32, #tpu.memory_space<vmem>>) dst(%dma_wait3A_166 : memref<10240x128xf32, #tpu.memory_space<vmem_shared>>)
          tpu.yield
        }) : () -> ()
        "tpu.region"() ({
          %run_scoped3A_154 = tpu.sem_alloc : memref<!tpu.dma_semaphore, #tpu.memory_space<semaphore_mem>>
          %dma_start3A_155 = arith.constant 0 : i32
          %dma_start3A_156 = tpu.memref_slice %arg8[%mul3A_119, %dma_start3A_155] : memref<40x128xi32, #tpu.memory_space<vmem>> -> memref<1x128xi32, #tpu.memory_space<vmem>>
          %dma_start3A_157 = tpu.memref_squeeze %dma_start3A_156 : memref<1x128xi32, #tpu.memory_space<vmem>> -> memref<128xi32, #tpu.memory_space<vmem>>
          %dma_start3A_158 = arith.constant 0 : i32
          %dma_start3A_159 = tpu.memref_slice %arg14[%dma_start3A_158] : memref<10240xf32, #tpu.memory_space<vmem_shared>> -> memref<10240xf32, #tpu.memory_space<vmem_shared>>
          tpu.enqueue_indirect_dma source(%arg11 : memref<128xf32, #tpu.memory_space<vmem>>) target(%dma_start3A_159 : memref<10240xf32, #tpu.memory_space<vmem_shared>>) offsets(%dma_start3A_157 : memref<128xi32, #tpu.memory_space<vmem>>) semaphore(%run_scoped3A_154 : memref<!tpu.dma_semaphore, #tpu.memory_space<semaphore_mem>>) {add = true}
          %dma_wait3A_160 = arith.constant 0 : i32
          %dma_wait3A_161 = tpu.memref_slice %arg8[%mul3A_119, %dma_wait3A_160] : memref<40x128xi32, #tpu.memory_space<vmem>> -> memref<1x128xi32, #tpu.memory_space<vmem>>
          %dma_wait3A_162 = tpu.memref_squeeze %dma_wait3A_161 : memref<1x128xi32, #tpu.memory_space<vmem>> -> memref<128xi32, #tpu.memory_space<vmem>>
          %dma_wait3A_163 = arith.constant 0 : i32
          %dma_wait3A_164 = tpu.memref_slice %arg14[%dma_wait3A_163] : memref<10240xf32, #tpu.memory_space<vmem_shared>> -> memref<10240xf32, #tpu.memory_space<vmem_shared>>
          tpu.wait_indirect_dma semaphore(%run_scoped3A_154 : memref<!tpu.dma_semaphore, #tpu.memory_space<semaphore_mem>>) src(%arg11 : memref<128xf32, #tpu.memory_space<vmem>>) dst(%dma_wait3A_164 : memref<10240xf32, #tpu.memory_space<vmem_shared>>)
          tpu.yield
        }) : () -> ()
        %add3A_126 = arith.constant 2 : i32
        %add3A_127 = arith.addi %mul3A_119, %add3A_126 : i32
        %dma_start3A_128 = arith.constant 0 : i32
        %dma_start3A_129 = tpu.memref_slice %arg7[%add3A_127, %dma_start3A_128] : memref<40x128xi32, #tpu.memory_space<vmem>> -> memref<1x128xi32, #tpu.memory_space<vmem>>
        %dma_start3A_130 = tpu.memref_squeeze %dma_start3A_129 : memref<1x128xi32, #tpu.memory_space<vmem>> -> memref<128xi32, #tpu.memory_space<vmem>>
        %dma_start3A_131 = arith.constant 0 : i32
        %dma_start3A_132 = arith.constant 0 : i32
        %dma_start3A_133 = tpu.memref_slice %arg2[%dma_start3A_131, %dma_start3A_132] : memref<10240x128xf32, #tpu.memory_space<hbm>> -> memref<10240x128xf32, #tpu.memory_space<hbm>>
        tpu.enqueue_indirect_dma source(%dma_start3A_133 : memref<10240x128xf32, #tpu.memory_space<hbm>>) target(%arg9 : memref<128x128xf32, #tpu.memory_space<vmem>>) offsets(%dma_start3A_130 : memref<128xi32, #tpu.memory_space<vmem>>) semaphore(%arg15 : memref<!tpu.dma_semaphore, #tpu.memory_space<semaphore_mem>>)
        %add3A_134 = arith.constant 1 : i32
        %add3A_135 = arith.addi %mul3A_119, %add3A_134 : i32
        %dma_wait3A_136 = arith.constant 0 : i32
        %dma_wait3A_137 = tpu.memref_slice %arg7[%add3A_135, %dma_wait3A_136] : memref<40x128xi32, #tpu.memory_space<vmem>> -> memref<1x128xi32, #tpu.memory_space<vmem>>
        %dma_wait3A_138 = tpu.memref_squeeze %dma_wait3A_137 : memref<1x128xi32, #tpu.memory_space<vmem>> -> memref<128xi32, #tpu.memory_space<vmem>>
        %dma_wait3A_139 = arith.constant 0 : i32
        %dma_wait3A_140 = arith.constant 0 : i32
        %dma_wait3A_141 = tpu.memref_slice %arg2[%dma_wait3A_139, %dma_wait3A_140] : memref<10240x128xf32, #tpu.memory_space<hbm>> -> memref<10240x128xf32, #tpu.memory_space<hbm>>
        tpu.wait_indirect_dma semaphore(%arg16 : memref<!tpu.dma_semaphore, #tpu.memory_space<semaphore_mem>>) src(%dma_wait3A_141 : memref<10240x128xf32, #tpu.memory_space<hbm>>) dst(%arg10 : memref<128x128xf32, #tpu.memory_space<vmem>>)
        %add3A_142 = arith.constant 1 : i32
        %add3A_143 = arith.addi %mul3A_119, %add3A_142 : i32
        "tpu.region"() ({
          %run_scoped3A_154 = tpu.sem_alloc : memref<!tpu.dma_semaphore, #tpu.memory_space<semaphore_mem>>
          %dma_start3A_155 = arith.constant 0 : i32
          %dma_start3A_156 = tpu.memref_slice %arg8[%add3A_143, %dma_start3A_155] : memref<40x128xi32, #tpu.memory_space<vmem>> -> memref<1x128xi32, #tpu.memory_space<vmem>>
          %dma_start3A_157 = tpu.memref_squeeze %dma_start3A_156 : memref<1x128xi32, #tpu.memory_space<vmem>> -> memref<128xi32, #tpu.memory_space<vmem>>
          %dma_start3A_158 = arith.constant 0 : i32
          %dma_start3A_159 = arith.constant 0 : i32
          %dma_start3A_160 = tpu.memref_slice %arg13[%dma_start3A_158, %dma_start3A_159] : memref<10240x128xf32, #tpu.memory_space<vmem_shared>> -> memref<10240x128xf32, #tpu.memory_space<vmem_shared>>
          tpu.enqueue_indirect_dma source(%arg10 : memref<128x128xf32, #tpu.memory_space<vmem>>) target(%dma_start3A_160 : memref<10240x128xf32, #tpu.memory_space<vmem_shared>>) offsets(%dma_start3A_157 : memref<128xi32, #tpu.memory_space<vmem>>) semaphore(%run_scoped3A_154 : memref<!tpu.dma_semaphore, #tpu.memory_space<semaphore_mem>>) {add = true}
          %dma_wait3A_161 = arith.constant 0 : i32
          %dma_wait3A_162 = tpu.memref_slice %arg8[%add3A_143, %dma_wait3A_161] : memref<40x128xi32, #tpu.memory_space<vmem>> -> memref<1x128xi32, #tpu.memory_space<vmem>>
          %dma_wait3A_163 = tpu.memref_squeeze %dma_wait3A_162 : memref<1x128xi32, #tpu.memory_space<vmem>> -> memref<128xi32, #tpu.memory_space<vmem>>
          %dma_wait3A_164 = arith.constant 0 : i32
          %dma_wait3A_165 = arith.constant 0 : i32
          %dma_wait3A_166 = tpu.memref_slice %arg13[%dma_wait3A_164, %dma_wait3A_165] : memref<10240x128xf32, #tpu.memory_space<vmem_shared>> -> memref<10240x128xf32, #tpu.memory_space<vmem_shared>>
          tpu.wait_indirect_dma semaphore(%run_scoped3A_154 : memref<!tpu.dma_semaphore, #tpu.memory_space<semaphore_mem>>) src(%arg10 : memref<128x128xf32, #tpu.memory_space<vmem>>) dst(%dma_wait3A_166 : memref<10240x128xf32, #tpu.memory_space<vmem_shared>>)
          tpu.yield
        }) : () -> ()
        %add3A_144 = arith.constant 1 : i32
        %add3A_145 = arith.addi %mul3A_119, %add3A_144 : i32
        "tpu.region"() ({
          %run_scoped3A_154 = tpu.sem_alloc : memref<!tpu.dma_semaphore, #tpu.memory_space<semaphore_mem>>
          %dma_start3A_155 = arith.constant 0 : i32
          %dma_start3A_156 = tpu.memref_slice %arg8[%add3A_145, %dma_start3A_155] : memref<40x128xi32, #tpu.memory_space<vmem>> -> memref<1x128xi32, #tpu.memory_space<vmem>>
          %dma_start3A_157 = tpu.memref_squeeze %dma_start3A_156 : memref<1x128xi32, #tpu.memory_space<vmem>> -> memref<128xi32, #tpu.memory_space<vmem>>
          %dma_start3A_158 = arith.constant 0 : i32
          %dma_start3A_159 = tpu.memref_slice %arg14[%dma_start3A_158] : memref<10240xf32, #tpu.memory_space<vmem_shared>> -> memref<10240xf32, #tpu.memory_space<vmem_shared>>
          tpu.enqueue_indirect_dma source(%arg11 : memref<128xf32, #tpu.memory_space<vmem>>) target(%dma_start3A_159 : memref<10240xf32, #tpu.memory_space<vmem_shared>>) offsets(%dma_start3A_157 : memref<128xi32, #tpu.memory_space<vmem>>) semaphore(%run_scoped3A_154 : memref<!tpu.dma_semaphore, #tpu.memory_space<semaphore_mem>>) {add = true}
          %dma_wait3A_160 = arith.constant 0 : i32
          %dma_wait3A_161 = tpu.memref_slice %arg8[%add3A_145, %dma_wait3A_160] : memref<40x128xi32, #tpu.memory_space<vmem>> -> memref<1x128xi32, #tpu.memory_space<vmem>>
          %dma_wait3A_162 = tpu.memref_squeeze %dma_wait3A_161 : memref<1x128xi32, #tpu.memory_space<vmem>> -> memref<128xi32, #tpu.memory_space<vmem>>
          %dma_wait3A_163 = arith.constant 0 : i32
          %dma_wait3A_164 = tpu.memref_slice %arg14[%dma_wait3A_163] : memref<10240xf32, #tpu.memory_space<vmem_shared>> -> memref<10240xf32, #tpu.memory_space<vmem_shared>>
          tpu.wait_indirect_dma semaphore(%run_scoped3A_154 : memref<!tpu.dma_semaphore, #tpu.memory_space<semaphore_mem>>) src(%arg11 : memref<128xf32, #tpu.memory_space<vmem>>) dst(%dma_wait3A_164 : memref<10240xf32, #tpu.memory_space<vmem_shared>>)
          tpu.yield
        }) : () -> ()
        %add3A_146 = arith.constant 3 : i32
        %add3A_147 = arith.addi %mul3A_119, %add3A_146 : i32
        %dma_start3A_148 = arith.constant 0 : i32
        %dma_start3A_149 = tpu.memref_slice %arg7[%add3A_147, %dma_start3A_148] : memref<40x128xi32, #tpu.memory_space<vmem>> -> memref<1x128xi32, #tpu.memory_space<vmem>>
        %dma_start3A_150 = tpu.memref_squeeze %dma_start3A_149 : memref<1x128xi32, #tpu.memory_space<vmem>> -> memref<128xi32, #tpu.memory_space<vmem>>
        %dma_start3A_151 = arith.constant 0 : i32
        %dma_start3A_152 = arith.constant 0 : i32
        %dma_start3A_153 = tpu.memref_slice %arg2[%dma_start3A_151, %dma_start3A_152] : memref<10240x128xf32, #tpu.memory_space<hbm>> -> memref<10240x128xf32, #tpu.memory_space<hbm>>
        tpu.enqueue_indirect_dma source(%dma_start3A_153 : memref<10240x128xf32, #tpu.memory_space<hbm>>) target(%arg10 : memref<128x128xf32, #tpu.memory_space<vmem>>) offsets(%dma_start3A_150 : memref<128xi32, #tpu.memory_space<vmem>>) semaphore(%arg16 : memref<!tpu.dma_semaphore, #tpu.memory_space<semaphore_mem>>)
      }
      %scan3A_100 = arith.constant 19 : i32
      %dma_wait3A = arith.constant 38 : i32
      %dma_wait3A_101 = arith.constant 0 : i32
      %dma_wait3A_102 = tpu.memref_slice %arg7[%dma_wait3A, %dma_wait3A_101] : memref<40x128xi32, #tpu.memory_space<vmem>> -> memref<1x128xi32, #tpu.memory_space<vmem>>
      %dma_wait3A_103 = tpu.memref_squeeze %dma_wait3A_102 : memref<1x128xi32, #tpu.memory_space<vmem>> -> memref<128xi32, #tpu.memory_space<vmem>>
      %dma_wait3A_104 = arith.constant 0 : i32
      %dma_wait3A_105 = arith.constant 0 : i32
      %dma_wait3A_106 = tpu.memref_slice %arg2[%dma_wait3A_104, %dma_wait3A_105] : memref<10240x128xf32, #tpu.memory_space<hbm>> -> memref<10240x128xf32, #tpu.memory_space<hbm>>
      tpu.wait_indirect_dma semaphore(%arg15 : memref<!tpu.dma_semaphore, #tpu.memory_space<semaphore_mem>>) src(%dma_wait3A_106 : memref<10240x128xf32, #tpu.memory_space<hbm>>) dst(%arg9 : memref<128x128xf32, #tpu.memory_space<vmem>>)
      %run_scoped3A = arith.constant 38 : i32
      "tpu.region"() ({
        %run_scoped3A_117 = tpu.sem_alloc : memref<!tpu.dma_semaphore, #tpu.memory_space<semaphore_mem>>
        %dma_start3A_118 = arith.constant 0 : i32
        %dma_start3A_119 = tpu.memref_slice %arg8[%run_scoped3A, %dma_start3A_118] : memref<40x128xi32, #tpu.memory_space<vmem>> -> memref<1x128xi32, #tpu.memory_space<vmem>>
        %dma_start3A_120 = tpu.memref_squeeze %dma_start3A_119 : memref<1x128xi32, #tpu.memory_space<vmem>> -> memref<128xi32, #tpu.memory_space<vmem>>
        %dma_start3A_121 = arith.constant 0 : i32
        %dma_start3A_122 = arith.constant 0 : i32
        %dma_start3A_123 = tpu.memref_slice %arg13[%dma_start3A_121, %dma_start3A_122] : memref<10240x128xf32, #tpu.memory_space<vmem_shared>> -> memref<10240x128xf32, #tpu.memory_space<vmem_shared>>
        tpu.enqueue_indirect_dma source(%arg9 : memref<128x128xf32, #tpu.memory_space<vmem>>) target(%dma_start3A_123 : memref<10240x128xf32, #tpu.memory_space<vmem_shared>>) offsets(%dma_start3A_120 : memref<128xi32, #tpu.memory_space<vmem>>) semaphore(%run_scoped3A_117 : memref<!tpu.dma_semaphore, #tpu.memory_space<semaphore_mem>>) {add = true}
        %dma_wait3A_124 = arith.constant 0 : i32
        %dma_wait3A_125 = tpu.memref_slice %arg8[%run_scoped3A, %dma_wait3A_124] : memref<40x128xi32, #tpu.memory_space<vmem>> -> memref<1x128xi32, #tpu.memory_space<vmem>>
        %dma_wait3A_126 = tpu.memref_squeeze %dma_wait3A_125 : memref<1x128xi32, #tpu.memory_space<vmem>> -> memref<128xi32, #tpu.memory_space<vmem>>
        %dma_wait3A_127 = arith.constant 0 : i32
        %dma_wait3A_128 = arith.constant 0 : i32
        %dma_wait3A_129 = tpu.memref_slice %arg13[%dma_wait3A_127, %dma_wait3A_128] : memref<10240x128xf32, #tpu.memory_space<vmem_shared>> -> memref<10240x128xf32, #tpu.memory_space<vmem_shared>>
        tpu.wait_indirect_dma semaphore(%run_scoped3A_117 : memref<!tpu.dma_semaphore, #tpu.memory_space<semaphore_mem>>) src(%arg9 : memref<128x128xf32, #tpu.memory_space<vmem>>) dst(%dma_wait3A_129 : memref<10240x128xf32, #tpu.memory_space<vmem_shared>>)
        tpu.yield
      }) : () -> ()
      %run_scoped3A_107 = arith.constant 38 : i32
      "tpu.region"() ({
        %run_scoped3A_117 = tpu.sem_alloc : memref<!tpu.dma_semaphore, #tpu.memory_space<semaphore_mem>>
        %dma_start3A_118 = arith.constant 0 : i32
        %dma_start3A_119 = tpu.memref_slice %arg8[%run_scoped3A_107, %dma_start3A_118] : memref<40x128xi32, #tpu.memory_space<vmem>> -> memref<1x128xi32, #tpu.memory_space<vmem>>
        %dma_start3A_120 = tpu.memref_squeeze %dma_start3A_119 : memref<1x128xi32, #tpu.memory_space<vmem>> -> memref<128xi32, #tpu.memory_space<vmem>>
        %dma_start3A_121 = arith.constant 0 : i32
        %dma_start3A_122 = tpu.memref_slice %arg14[%dma_start3A_121] : memref<10240xf32, #tpu.memory_space<vmem_shared>> -> memref<10240xf32, #tpu.memory_space<vmem_shared>>
        tpu.enqueue_indirect_dma source(%arg11 : memref<128xf32, #tpu.memory_space<vmem>>) target(%dma_start3A_122 : memref<10240xf32, #tpu.memory_space<vmem_shared>>) offsets(%dma_start3A_120 : memref<128xi32, #tpu.memory_space<vmem>>) semaphore(%run_scoped3A_117 : memref<!tpu.dma_semaphore, #tpu.memory_space<semaphore_mem>>) {add = true}
        %dma_wait3A_123 = arith.constant 0 : i32
        %dma_wait3A_124 = tpu.memref_slice %arg8[%run_scoped3A_107, %dma_wait3A_123] : memref<40x128xi32, #tpu.memory_space<vmem>> -> memref<1x128xi32, #tpu.memory_space<vmem>>
        %dma_wait3A_125 = tpu.memref_squeeze %dma_wait3A_124 : memref<1x128xi32, #tpu.memory_space<vmem>> -> memref<128xi32, #tpu.memory_space<vmem>>
        %dma_wait3A_126 = arith.constant 0 : i32
        %dma_wait3A_127 = tpu.memref_slice %arg14[%dma_wait3A_126] : memref<10240xf32, #tpu.memory_space<vmem_shared>> -> memref<10240xf32, #tpu.memory_space<vmem_shared>>
        tpu.wait_indirect_dma semaphore(%run_scoped3A_117 : memref<!tpu.dma_semaphore, #tpu.memory_space<semaphore_mem>>) src(%arg11 : memref<128xf32, #tpu.memory_space<vmem>>) dst(%dma_wait3A_127 : memref<10240xf32, #tpu.memory_space<vmem_shared>>)
        tpu.yield
      }) : () -> ()
      %dma_wait3A_108 = arith.constant 39 : i32
      %dma_wait3A_109 = arith.constant 0 : i32
      %dma_wait3A_110 = tpu.memref_slice %arg7[%dma_wait3A_108, %dma_wait3A_109] : memref<40x128xi32, #tpu.memory_space<vmem>> -> memref<1x128xi32, #tpu.memory_space<vmem>>
      %dma_wait3A_111 = tpu.memref_squeeze %dma_wait3A_110 : memref<1x128xi32, #tpu.memory_space<vmem>> -> memref<128xi32, #tpu.memory_space<vmem>>
      %dma_wait3A_112 = arith.constant 0 : i32
      %dma_wait3A_113 = arith.constant 0 : i32
      %dma_wait3A_114 = tpu.memref_slice %arg2[%dma_wait3A_112, %dma_wait3A_113] : memref<10240x128xf32, #tpu.memory_space<hbm>> -> memref<10240x128xf32, #tpu.memory_space<hbm>>
      tpu.wait_indirect_dma semaphore(%arg16 : memref<!tpu.dma_semaphore, #tpu.memory_space<semaphore_mem>>) src(%dma_wait3A_114 : memref<10240x128xf32, #tpu.memory_space<hbm>>) dst(%arg10 : memref<128x128xf32, #tpu.memory_space<vmem>>)
      %run_scoped3A_115 = arith.constant 39 : i32
      "tpu.region"() ({
        %run_scoped3A_117 = tpu.sem_alloc : memref<!tpu.dma_semaphore, #tpu.memory_space<semaphore_mem>>
        %dma_start3A_118 = arith.constant 0 : i32
        %dma_start3A_119 = tpu.memref_slice %arg8[%run_scoped3A_115, %dma_start3A_118] : memref<40x128xi32, #tpu.memory_space<vmem>> -> memref<1x128xi32, #tpu.memory_space<vmem>>
        %dma_start3A_120 = tpu.memref_squeeze %dma_start3A_119 : memref<1x128xi32, #tpu.memory_space<vmem>> -> memref<128xi32, #tpu.memory_space<vmem>>
        %dma_start3A_121 = arith.constant 0 : i32
        %dma_start3A_122 = arith.constant 0 : i32
        %dma_start3A_123 = tpu.memref_slice %arg13[%dma_start3A_121, %dma_start3A_122] : memref<10240x128xf32, #tpu.memory_space<vmem_shared>> -> memref<10240x128xf32, #tpu.memory_space<vmem_shared>>
        tpu.enqueue_indirect_dma source(%arg10 : memref<128x128xf32, #tpu.memory_space<vmem>>) target(%dma_start3A_123 : memref<10240x128xf32, #tpu.memory_space<vmem_shared>>) offsets(%dma_start3A_120 : memref<128xi32, #tpu.memory_space<vmem>>) semaphore(%run_scoped3A_117 : memref<!tpu.dma_semaphore, #tpu.memory_space<semaphore_mem>>) {add = true}
        %dma_wait3A_124 = arith.constant 0 : i32
        %dma_wait3A_125 = tpu.memref_slice %arg8[%run_scoped3A_115, %dma_wait3A_124] : memref<40x128xi32, #tpu.memory_space<vmem>> -> memref<1x128xi32, #tpu.memory_space<vmem>>
        %dma_wait3A_126 = tpu.memref_squeeze %dma_wait3A_125 : memref<1x128xi32, #tpu.memory_space<vmem>> -> memref<128xi32, #tpu.memory_space<vmem>>
        %dma_wait3A_127 = arith.constant 0 : i32
        %dma_wait3A_128 = arith.constant 0 : i32
        %dma_wait3A_129 = tpu.memref_slice %arg13[%dma_wait3A_127, %dma_wait3A_128] : memref<10240x128xf32, #tpu.memory_space<vmem_shared>> -> memref<10240x128xf32, #tpu.memory_space<vmem_shared>>
        tpu.wait_indirect_dma semaphore(%run_scoped3A_117 : memref<!tpu.dma_semaphore, #tpu.memory_space<semaphore_mem>>) src(%arg10 : memref<128x128xf32, #tpu.memory_space<vmem>>) dst(%dma_wait3A_129 : memref<10240x128xf32, #tpu.memory_space<vmem_shared>>)
        tpu.yield
      }) : () -> ()
      %run_scoped3A_116 = arith.constant 39 : i32
      "tpu.region"() ({
        %run_scoped3A_117 = tpu.sem_alloc : memref<!tpu.dma_semaphore, #tpu.memory_space<semaphore_mem>>
        %dma_start3A_118 = arith.constant 0 : i32
        %dma_start3A_119 = tpu.memref_slice %arg8[%run_scoped3A_116, %dma_start3A_118] : memref<40x128xi32, #tpu.memory_space<vmem>> -> memref<1x128xi32, #tpu.memory_space<vmem>>
        %dma_start3A_120 = tpu.memref_squeeze %dma_start3A_119 : memref<1x128xi32, #tpu.memory_space<vmem>> -> memref<128xi32, #tpu.memory_space<vmem>>
        %dma_start3A_121 = arith.constant 0 : i32
        %dma_start3A_122 = tpu.memref_slice %arg14[%dma_start3A_121] : memref<10240xf32, #tpu.memory_space<vmem_shared>> -> memref<10240xf32, #tpu.memory_space<vmem_shared>>
        tpu.enqueue_indirect_dma source(%arg11 : memref<128xf32, #tpu.memory_space<vmem>>) target(%dma_start3A_122 : memref<10240xf32, #tpu.memory_space<vmem_shared>>) offsets(%dma_start3A_120 : memref<128xi32, #tpu.memory_space<vmem>>) semaphore(%run_scoped3A_117 : memref<!tpu.dma_semaphore, #tpu.memory_space<semaphore_mem>>) {add = true}
        %dma_wait3A_123 = arith.constant 0 : i32
        %dma_wait3A_124 = tpu.memref_slice %arg8[%run_scoped3A_116, %dma_wait3A_123] : memref<40x128xi32, #tpu.memory_space<vmem>> -> memref<1x128xi32, #tpu.memory_space<vmem>>
        %dma_wait3A_125 = tpu.memref_squeeze %dma_wait3A_124 : memref<1x128xi32, #tpu.memory_space<vmem>> -> memref<128xi32, #tpu.memory_space<vmem>>
        %dma_wait3A_126 = arith.constant 0 : i32
        %dma_wait3A_127 = tpu.memref_slice %arg14[%dma_wait3A_126] : memref<10240xf32, #tpu.memory_space<vmem_shared>> -> memref<10240xf32, #tpu.memory_space<vmem_shared>>
        tpu.wait_indirect_dma semaphore(%run_scoped3A_117 : memref<!tpu.dma_semaphore, #tpu.memory_space<semaphore_mem>>) src(%arg11 : memref<128xf32, #tpu.memory_space<vmem>>) dst(%dma_wait3A_127 : memref<10240xf32, #tpu.memory_space<vmem_shared>>)
        tpu.yield
      }) : () -> ()
    }
    %scan3A_74 = arith.constant 2 : i32
    %barrier3A_75 = arith.constant 0 : index
    tpu.barrier barrier_id(%barrier3A_75)
    %mul3A_76 = arith.constant 10240 : i32
    %mul3A_77 = arith.muli %arg0, %mul3A_76 : i32
    %add3A_78 = arith.addi %mul3A_77, %mul3A_59 : i32
    "tpu.region"() ({
      %run_scoped3A = tpu.sem_alloc : memref<!tpu.dma_semaphore, #tpu.memory_space<semaphore_mem>>
      %dma_start3A = arith.constant 0 : i32
      %dma_start3A_79 = tpu.memref_slice %arg5[%add3A_78, %dma_start3A] : memref<20480x128xf32, #tpu.memory_space<hbm>> -> memref<640x128xf32, #tpu.memory_space<hbm>>
      %dma_start3A_80 = arith.constant 0 : i32
      %dma_start3A_81 = tpu.memref_slice %arg13[%mul3A_59, %dma_start3A_80] : memref<10240x128xf32, #tpu.memory_space<vmem_shared>> -> memref<640x128xf32, #tpu.memory_space<vmem_shared>>
      tpu.enqueue_dma source(%dma_start3A_81 : memref<640x128xf32, #tpu.memory_space<vmem_shared>>) target(%dma_start3A_79 : memref<640x128xf32, #tpu.memory_space<hbm>>) target_semaphore(%run_scoped3A : memref<!tpu.dma_semaphore, #tpu.memory_space<semaphore_mem>>)
      %dma_wait3A = arith.constant 0 : i32
      %dma_wait3A_82 = tpu.memref_slice %arg5[%add3A_78, %dma_wait3A] : memref<20480x128xf32, #tpu.memory_space<hbm>> -> memref<640x128xf32, #tpu.memory_space<hbm>>
      %dma_wait3A_83 = arith.constant 0 : i32
      %dma_wait3A_84 = tpu.memref_slice %arg13[%mul3A_59, %dma_wait3A_83] : memref<10240x128xf32, #tpu.memory_space<vmem_shared>> -> memref<640x128xf32, #tpu.memory_space<vmem_shared>>
      tpu.wait_dma2 semaphore(%run_scoped3A : memref<!tpu.dma_semaphore, #tpu.memory_space<semaphore_mem>>) src(%dma_wait3A_84 : memref<640x128xf32, #tpu.memory_space<vmem_shared>>) dst(%dma_wait3A_82 : memref<640x128xf32, #tpu.memory_space<hbm>>)
      tpu.yield
    }) : () -> ()
    "tpu.region"() ({
      %run_scoped3A = tpu.sem_alloc : memref<!tpu.dma_semaphore, #tpu.memory_space<semaphore_mem>>
      %dma_start3A = tpu.memref_slice %arg14[%mul3A_59] : memref<10240xf32, #tpu.memory_space<vmem_shared>> -> memref<640xf32, #tpu.memory_space<vmem_shared>>
      %dma_start3A_79 = tpu.memref_slice %arg14[%mul3A_59] : memref<10240xf32, #tpu.memory_space<vmem_shared>> -> memref<640xf32, #tpu.memory_space<vmem_shared>>
      tpu.enqueue_dma source(%dma_start3A_79 : memref<640xf32, #tpu.memory_space<vmem_shared>>) target(%arg12 : memref<640xf32, #tpu.memory_space<vmem>>) target_semaphore(%run_scoped3A : memref<!tpu.dma_semaphore, #tpu.memory_space<semaphore_mem>>)
      %dma_wait3A = tpu.memref_slice %arg14[%mul3A_59] : memref<10240xf32, #tpu.memory_space<vmem_shared>> -> memref<640xf32, #tpu.memory_space<vmem_shared>>
      %dma_wait3A_80 = tpu.memref_slice %arg14[%mul3A_59] : memref<10240xf32, #tpu.memory_space<vmem_shared>> -> memref<640xf32, #tpu.memory_space<vmem_shared>>
      tpu.wait_dma2 semaphore(%run_scoped3A : memref<!tpu.dma_semaphore, #tpu.memory_space<semaphore_mem>>) src(%dma_wait3A_80 : memref<640xf32, #tpu.memory_space<vmem_shared>>) dst(%arg12 : memref<640xf32, #tpu.memory_space<vmem>>)
      tpu.yield
    }) : () -> ()
    "tpu.region"() ({
      %run_scoped3A = tpu.sem_alloc : memref<!tpu.dma_semaphore, #tpu.memory_space<semaphore_mem>>
      %dma_start3A = tpu.memref_slice %arg6[%add3A_78] : memref<20480xf32, #tpu.memory_space<hbm>> -> memref<640xf32, #tpu.memory_space<hbm>>
      %dma_start3A_79 = tpu.memref_slice %arg6[%add3A_78] : memref<20480xf32, #tpu.memory_space<hbm>> -> memref<640xf32, #tpu.memory_space<hbm>>
      tpu.enqueue_dma source(%arg12 : memref<640xf32, #tpu.memory_space<vmem>>) target(%dma_start3A_79 : memref<640xf32, #tpu.memory_space<hbm>>) target_semaphore(%run_scoped3A : memref<!tpu.dma_semaphore, #tpu.memory_space<semaphore_mem>>)
      %dma_wait3A = tpu.memref_slice %arg6[%add3A_78] : memref<20480xf32, #tpu.memory_space<hbm>> -> memref<640xf32, #tpu.memory_space<hbm>>
      %dma_wait3A_80 = tpu.memref_slice %arg6[%add3A_78] : memref<20480xf32, #tpu.memory_space<hbm>> -> memref<640xf32, #tpu.memory_space<hbm>>
      tpu.wait_dma2 semaphore(%run_scoped3A : memref<!tpu.dma_semaphore, #tpu.memory_space<semaphore_mem>>) src(%arg12 : memref<640xf32, #tpu.memory_space<vmem>>) dst(%dma_wait3A_80 : memref<640xf32, #tpu.memory_space<hbm>>)
      tpu.yield
    }) : () -> ()
    return
  }
}

module attributes {stable_mosaic.version = 14 : i64} {
  func.func @_tc1_body(%arg0: i32, %arg1: i32, %arg2: memref<80x128xf32, #tpu.memory_space<vmem>>, %arg3: memref<80x128xf32, #tpu.memory_space<vmem>>, %arg4: memref<80x1xf32, #tpu.memory_space<vmem>>, %arg5: memref<80x1xf32, #tpu.memory_space<vmem>>, %arg6: memref<80x128xf32, #tpu.memory_space<vmem>>, %arg7: memref<128x128xf32, #tpu.memory_space<vmem>>, %arg8: memref<128x128xf32, #tpu.memory_space<vmem>>, %arg9: memref<1x128xf32, #tpu.memory_space<vmem>>, %arg10: memref<80x128xf32, #tpu.memory_space<vmem>>) attributes {dimension_semantics = [#tpu.dimension_semantics<arbitrary>, #tpu.dimension_semantics<arbitrary>], iteration_bounds = array<i64: 125, 2>, scalar_prefetch = 0 : i64, scratch_operands = 0 : i64, tpu.core_type = #tpu.core_type<tc>, window_params = [{transform_indices = @transform_0, window_bounds = array<i64: 80, 128>}, {transform_indices = @transform_1, window_bounds = array<i64: 80, 128>}, {transform_indices = @transform_2, window_bounds = array<i64: 80, 1>}, {transform_indices = @transform_3, window_bounds = array<i64: 80, 1>}, {transform_indices = @transform_4, window_bounds = array<i64: 80, 128>}, {transform_indices = @transform_5, window_bounds = array<i64: 128, 128>}, {transform_indices = @transform_6, window_bounds = array<i64: 128, 128>}, {transform_indices = @transform_7, window_bounds = array<i64: 1, 128>}, {transform_indices = @transform_8, window_bounds = array<i64: 80, 128>}]} {
    %get3A = arith.constant 0 : index
    %get3A_0 = arith.constant 0 : index
    %get3A_1 = vector.load %arg4[%get3A, %get3A_0] : memref<80x1xf32, #tpu.memory_space<vmem>>, vector<80x1xf32>
    %get3A_2 = arith.constant 0 : index
    %get3A_3 = arith.constant 0 : index
    %get3A_4 = vector.load %arg5[%get3A_2, %get3A_3] : memref<80x1xf32, #tpu.memory_space<vmem>>, vector<80x1xf32>
    %add3A = arith.addf %get3A_1, %get3A_4 : vector<80x1xf32>
    %max3A = arith.constant 1.000000e+00 : f32
    %max3A_5 = vector.broadcast %max3A : f32 to vector<80x1xf32>
    %max3A_6 = arith.maximumf %add3A, %max3A_5 : vector<80x1xf32>
    %get3A_7 = arith.constant 0 : index
    %get3A_8 = arith.constant 0 : index
    %get3A_9 = vector.load %arg2[%get3A_7, %get3A_8] : memref<80x128xf32, #tpu.memory_space<vmem>>, vector<80x128xf32>
    %get3A_10 = arith.constant 0 : index
    %get3A_11 = arith.constant 0 : index
    %get3A_12 = vector.load %arg3[%get3A_10, %get3A_11] : memref<80x128xf32, #tpu.memory_space<vmem>>, vector<80x128xf32>
    %add3A_13 = arith.addf %get3A_9, %get3A_12 : vector<80x128xf32>
    %div3A = vector.broadcast %max3A_6 : vector<80x1xf32> to vector<80x128xf32>
    %div3A_14 = arith.divf %add3A_13, %div3A : vector<80x128xf32>
    %get3A_15 = arith.constant 0 : index
    %get3A_16 = arith.constant 0 : index
    %get3A_17 = vector.load %arg7[%get3A_15, %get3A_16] : memref<128x128xf32, #tpu.memory_space<vmem>>, vector<128x128xf32>
    %dot_general3A = arith.constant dense<0.000000e+00> : vector<80x128xf32>
    %dot_general3A_18 = tpu.matmul %div3A_14, %get3A_17, %dot_general3A {dimension_numbers = #tpu.dot_dimension_numbers<[1], [0], [0], [1], [0, 0, 1, 1], [], []>, transpose_lhs_hint = false} : vector<80x128xf32>, vector<128x128xf32>, vector<80x128xf32> -> vector<80x128xf32>
    %get3A_19 = arith.constant 0 : index
    %get3A_20 = arith.constant 0 : index
    %get3A_21 = vector.load %arg6[%get3A_19, %get3A_20] : memref<80x128xf32, #tpu.memory_space<vmem>>, vector<80x128xf32>
    %get3A_22 = arith.constant 0 : index
    %get3A_23 = arith.constant 0 : index
    %get3A_24 = vector.load %arg8[%get3A_22, %get3A_23] : memref<128x128xf32, #tpu.memory_space<vmem>>, vector<128x128xf32>
    %dot_general3A_25 = arith.constant dense<0.000000e+00> : vector<80x128xf32>
    %dot_general3A_26 = tpu.matmul %get3A_21, %get3A_24, %dot_general3A_25 {dimension_numbers = #tpu.dot_dimension_numbers<[1], [0], [0], [1], [0, 0, 1, 1], [], []>, transpose_lhs_hint = false} : vector<80x128xf32>, vector<128x128xf32>, vector<80x128xf32> -> vector<80x128xf32>
    %add3A_27 = arith.addf %dot_general3A_18, %dot_general3A_26 : vector<80x128xf32>
    %get3A_28 = arith.constant 0 : index
    %get3A_29 = arith.constant 0 : index
    %get3A_30 = vector.load %arg9[%get3A_28, %get3A_29] : memref<1x128xf32, #tpu.memory_space<vmem>>, vector<1x128xf32>
    %add3A_31 = vector.broadcast %get3A_30 : vector<1x128xf32> to vector<80x128xf32>
    %add3A_32 = arith.addf %add3A_27, %add3A_31 : vector<80x128xf32>
    %max3A_33 = arith.constant 0.000000e+00 : f32
    %max3A_34 = vector.broadcast %max3A_33 : f32 to vector<80x128xf32>
    %max3A_35 = arith.maximumf %add3A_32, %max3A_34 : vector<80x128xf32>
    %swap3A = arith.constant 0 : index
    %swap3A_36 = arith.constant 0 : index
    %swap3A_37 = vector.load %arg10[%swap3A, %swap3A_36] : memref<80x128xf32, #tpu.memory_space<vmem>>, vector<80x128xf32>
    tpu.vector_store %arg10[%swap3A, %swap3A_36], %max3A_35 {strides = array<i32>} : memref<80x128xf32, #tpu.memory_space<vmem>>, vector<80x128xf32>,
    return
  }
  func.func @transform_0(%arg0: i32, %arg1: i32) -> (i32, i32) {
    %c0_i32 = arith.constant 0 : i32
    %c0_i32_0 = arith.constant 0 : i32
    return %arg0, %c0_i32 : i32, i32
  }
  func.func @transform_1(%arg0: i32, %arg1: i32) -> (i32, i32) {
    %add3A = arith.constant 128 : i32
    %add3A_0 = arith.addi %add3A, %arg0 : i32
    %c0_i32 = arith.constant 0 : i32
    %c0_i32_1 = arith.constant 0 : i32
    return %add3A_0, %c0_i32 : i32, i32
  }
  func.func @transform_2(%arg0: i32, %arg1: i32) -> (i32, i32) {
    %c0_i32 = arith.constant 0 : i32
    %c0_i32_0 = arith.constant 0 : i32
    return %arg0, %c0_i32 : i32, i32
  }
  func.func @transform_3(%arg0: i32, %arg1: i32) -> (i32, i32) {
    %add3A = arith.constant 128 : i32
    %add3A_0 = arith.addi %add3A, %arg0 : i32
    %c0_i32 = arith.constant 0 : i32
    %c0_i32_1 = arith.constant 0 : i32
    return %add3A_0, %c0_i32 : i32, i32
  }
  func.func @transform_4(%arg0: i32, %arg1: i32) -> (i32, i32) {
    %c0_i32 = arith.constant 0 : i32
    %c0_i32_0 = arith.constant 0 : i32
    return %arg0, %c0_i32 : i32, i32
  }
  func.func @transform_5(%arg0: i32, %arg1: i32) -> (i32, i32) {
    %c0_i32 = arith.constant 0 : i32
    %c0_i32_0 = arith.constant 0 : i32
    return %c0_i32, %arg1 : i32, i32
  }
  func.func @transform_6(%arg0: i32, %arg1: i32) -> (i32, i32) {
    %c0_i32 = arith.constant 0 : i32
    %c0_i32_0 = arith.constant 0 : i32
    return %c0_i32, %arg1 : i32, i32
  }
  func.func @transform_7(%arg0: i32, %arg1: i32) -> (i32, i32) {
    %c0_i32 = arith.constant 0 : i32
    %c0_i32_0 = arith.constant 0 : i32
    return %c0_i32, %arg1 : i32, i32
  }
  func.func @transform_8(%arg0: i32, %arg1: i32) -> (i32, i32) {
    %mul3A = arith.constant 128 : i32
    %mul3A_0 = arith.muli %arg1, %mul3A : i32
    %add3A = arith.addi %mul3A_0, %arg0 : i32
    %c0_i32 = arith.constant 0 : i32
    %c0_i32_1 = arith.constant 0 : i32
    return %add3A, %c0_i32 : i32, i32
  }
}

module attributes {stable_mosaic.version = 14 : i64} {
  func.func @_tc2_body(%arg0: i32, %arg1: memref<80x256xf32, #tpu.memory_space<vmem>>, %arg2: memref<80x1xf32, #tpu.memory_space<vmem>>, %arg3: memref<80x1xf32, #tpu.memory_space<vmem>>, %arg4: memref<80x128xf32, #tpu.memory_space<vmem>>, %arg5: memref<80x128xf32, #tpu.memory_space<vmem>>, %arg6: memref<256x300xf32, #tpu.memory_space<vmem>>, %arg7: memref<128x300xf32, #tpu.memory_space<vmem>>, %arg8: memref<128x300xf32, #tpu.memory_space<vmem>>, %arg9: memref<1x300xf32, #tpu.memory_space<vmem>>, %arg10: memref<80x300xf32, #tpu.memory_space<vmem>>) attributes {dimension_semantics = [#tpu.dimension_semantics<arbitrary>], iteration_bounds = array<i64: 125>, scalar_prefetch = 0 : i64, scratch_operands = 0 : i64, tpu.core_type = #tpu.core_type<tc>, window_params = [{transform_indices = @transform_0, window_bounds = array<i64: 80, 256>}, {transform_indices = @transform_1, window_bounds = array<i64: 80, 1>}, {transform_indices = @transform_2, window_bounds = array<i64: 80, 1>}, {transform_indices = @transform_3, window_bounds = array<i64: 80, 128>}, {transform_indices = @transform_4, window_bounds = array<i64: 80, 128>}, {pipeline_mode = #tpu.pipeline_mode<synchronous>, transform_indices = @transform_5, window_bounds = array<i64: 256, 300>}, {pipeline_mode = #tpu.pipeline_mode<synchronous>, transform_indices = @transform_6, window_bounds = array<i64: 128, 300>}, {pipeline_mode = #tpu.pipeline_mode<synchronous>, transform_indices = @transform_7, window_bounds = array<i64: 128, 300>}, {pipeline_mode = #tpu.pipeline_mode<synchronous>, transform_indices = @transform_8, window_bounds = array<i64: 1, 300>}, {transform_indices = @transform_9, window_bounds = array<i64: 80, 300>}]} {
    %get3A = arith.constant 0 : index
    %get3A_0 = arith.constant 0 : index
    %get3A_1 = vector.load %arg2[%get3A, %get3A_0] : memref<80x1xf32, #tpu.memory_space<vmem>>, vector<80x1xf32>
    %get3A_2 = arith.constant 0 : index
    %get3A_3 = arith.constant 0 : index
    %get3A_4 = vector.load %arg3[%get3A_2, %get3A_3] : memref<80x1xf32, #tpu.memory_space<vmem>>, vector<80x1xf32>
    %add3A = arith.addf %get3A_1, %get3A_4 : vector<80x1xf32>
    %max3A = arith.constant 1.000000e+00 : f32
    %max3A_5 = vector.broadcast %max3A : f32 to vector<80x1xf32>
    %max3A_6 = arith.maximumf %add3A, %max3A_5 : vector<80x1xf32>
    %get3A_7 = arith.constant 0 : index
    %get3A_8 = arith.constant 0 : index
    %get3A_9 = vector.load %arg1[%get3A_7, %get3A_8] : memref<80x256xf32, #tpu.memory_space<vmem>>, vector<80x256xf32>
    %div3A = vector.broadcast %max3A_6 : vector<80x1xf32> to vector<80x256xf32>
    %div3A_10 = arith.divf %get3A_9, %div3A : vector<80x256xf32>
    %get3A_11 = arith.constant 0 : index
    %get3A_12 = arith.constant 0 : index
    %get3A_13 = vector.load %arg6[%get3A_11, %get3A_12] : memref<256x300xf32, #tpu.memory_space<vmem>>, vector<256x300xf32>
    %dot_general3A = arith.constant dense<0.000000e+00> : vector<80x300xf32>
    %dot_general3A_14 = tpu.matmul %div3A_10, %get3A_13, %dot_general3A {dimension_numbers = #tpu.dot_dimension_numbers<[1], [0], [0], [1], [0, 0, 1, 1], [], []>, transpose_lhs_hint = false} : vector<80x256xf32>, vector<256x300xf32>, vector<80x300xf32> -> vector<80x300xf32>
    %get3A_15 = arith.constant 0 : index
    %get3A_16 = arith.constant 0 : index
    %get3A_17 = vector.load %arg4[%get3A_15, %get3A_16] : memref<80x128xf32, #tpu.memory_space<vmem>>, vector<80x128xf32>
    %get3A_18 = arith.constant 0 : index
    %get3A_19 = arith.constant 0 : index
    %get3A_20 = vector.load %arg7[%get3A_18, %get3A_19] : memref<128x300xf32, #tpu.memory_space<vmem>>, vector<128x300xf32>
    %dot_general3A_21 = arith.constant dense<0.000000e+00> : vector<80x300xf32>
    %dot_general3A_22 = tpu.matmul %get3A_17, %get3A_20, %dot_general3A_21 {dimension_numbers = #tpu.dot_dimension_numbers<[1], [0], [0], [1], [0, 0, 1, 1], [], []>, transpose_lhs_hint = false} : vector<80x128xf32>, vector<128x300xf32>, vector<80x300xf32> -> vector<80x300xf32>
    %add3A_23 = arith.addf %dot_general3A_14, %dot_general3A_22 : vector<80x300xf32>
    %get3A_24 = arith.constant 0 : index
    %get3A_25 = arith.constant 0 : index
    %get3A_26 = vector.load %arg5[%get3A_24, %get3A_25] : memref<80x128xf32, #tpu.memory_space<vmem>>, vector<80x128xf32>
    %get3A_27 = arith.constant 0 : index
    %get3A_28 = arith.constant 0 : index
    %get3A_29 = vector.load %arg8[%get3A_27, %get3A_28] : memref<128x300xf32, #tpu.memory_space<vmem>>, vector<128x300xf32>
    %dot_general3A_30 = arith.constant dense<0.000000e+00> : vector<80x300xf32>
    %dot_general3A_31 = tpu.matmul %get3A_26, %get3A_29, %dot_general3A_30 {dimension_numbers = #tpu.dot_dimension_numbers<[1], [0], [0], [1], [0, 0, 1, 1], [], []>, transpose_lhs_hint = false} : vector<80x128xf32>, vector<128x300xf32>, vector<80x300xf32> -> vector<80x300xf32>
    %add3A_32 = arith.addf %add3A_23, %dot_general3A_31 : vector<80x300xf32>
    %get3A_33 = arith.constant 0 : index
    %get3A_34 = arith.constant 0 : index
    %get3A_35 = vector.load %arg9[%get3A_33, %get3A_34] : memref<1x300xf32, #tpu.memory_space<vmem>>, vector<1x300xf32>
    %add3A_36 = vector.broadcast %get3A_35 : vector<1x300xf32> to vector<80x300xf32>
    %add3A_37 = arith.addf %add3A_32, %add3A_36 : vector<80x300xf32>
    %reduce_max3A = arith.constant dense<0xFF800000> : vector<80xf32>
    %reduce_max3A_38 = vector.multi_reduction <maximumf>, %add3A_37, %reduce_max3A [1] : vector<80x300xf32> to vector<80xf32>
    %broadcast_in_dim3A = vector.shape_cast %reduce_max3A_38 : vector<80xf32> to vector<80x1xf32>
    %sub3A = vector.broadcast %broadcast_in_dim3A : vector<80x1xf32> to vector<80x300xf32>
    %sub3A_39 = arith.subf %add3A_37, %sub3A : vector<80x300xf32>
    %exp3A = math.exp %sub3A_39 : vector<80x300xf32>
    %sub3A_40 = vector.broadcast %broadcast_in_dim3A : vector<80x1xf32> to vector<80x300xf32>
    %sub3A_41 = arith.subf %add3A_37, %sub3A_40 : vector<80x300xf32>
    %reduce_sum3A = arith.constant dense<0.000000e+00> : vector<80xf32>
    %reduce_sum3A_42 = vector.multi_reduction <add>, %exp3A, %reduce_sum3A [1] : vector<80x300xf32> to vector<80xf32>
    %broadcast_in_dim3A_43 = vector.shape_cast %reduce_sum3A_42 : vector<80xf32> to vector<80x1xf32>
    %log3A = math.log %broadcast_in_dim3A_43 : vector<80x1xf32>
    %sub3A_44 = vector.broadcast %log3A : vector<80x1xf32> to vector<80x300xf32>
    %sub3A_45 = arith.subf %sub3A_41, %sub3A_44 : vector<80x300xf32>
    %swap3A = arith.constant 0 : index
    %swap3A_46 = arith.constant 0 : index
    %swap3A_47 = vector.load %arg10[%swap3A, %swap3A_46] : memref<80x300xf32, #tpu.memory_space<vmem>>, vector<80x300xf32>
    tpu.vector_store %arg10[%swap3A, %swap3A_46], %sub3A_45 {strides = array<i32>} : memref<80x300xf32, #tpu.memory_space<vmem>>, vector<80x300xf32>,
    return
  }
  func.func @transform_0(%arg0: i32) -> (i32, i32) {
    %c0_i32 = arith.constant 0 : i32
    %c0_i32_0 = arith.constant 0 : i32
    return %arg0, %c0_i32 : i32, i32
  }
  func.func @transform_1(%arg0: i32) -> (i32, i32) {
    %c0_i32 = arith.constant 0 : i32
    %c0_i32_0 = arith.constant 0 : i32
    return %arg0, %c0_i32 : i32, i32
  }
  func.func @transform_2(%arg0: i32) -> (i32, i32) {
    %add3A = arith.constant 128 : i32
    %add3A_0 = arith.addi %add3A, %arg0 : i32
    %c0_i32 = arith.constant 0 : i32
    %c0_i32_1 = arith.constant 0 : i32
    return %add3A_0, %c0_i32 : i32, i32
  }
  func.func @transform_3(%arg0: i32) -> (i32, i32) {
    %c0_i32 = arith.constant 0 : i32
    %c0_i32_0 = arith.constant 0 : i32
    return %arg0, %c0_i32 : i32, i32
  }
  func.func @transform_4(%arg0: i32) -> (i32, i32) {
    %add3A = arith.constant 128 : i32
    %add3A_0 = arith.addi %add3A, %arg0 : i32
    %c0_i32 = arith.constant 0 : i32
    %c0_i32_1 = arith.constant 0 : i32
    return %add3A_0, %c0_i32 : i32, i32
  }
  func.func @transform_5(%arg0: i32) -> (i32, i32) {
    %c0_i32 = arith.constant 0 : i32
    %c0_i32_0 = arith.constant 0 : i32
    %c0_i32_1 = arith.constant 0 : i32
    return %c0_i32, %c0_i32_0 : i32, i32
  }
  func.func @transform_6(%arg0: i32) -> (i32, i32) {
    %c0_i32 = arith.constant 0 : i32
    %c0_i32_0 = arith.constant 0 : i32
    %c0_i32_1 = arith.constant 0 : i32
    return %c0_i32, %c0_i32_0 : i32, i32
  }
  func.func @transform_7(%arg0: i32) -> (i32, i32) {
    %c0_i32 = arith.constant 0 : i32
    %c0_i32_0 = arith.constant 0 : i32
    %c0_i32_1 = arith.constant 0 : i32
    return %c0_i32, %c0_i32_0 : i32, i32
  }
  func.func @transform_8(%arg0: i32) -> (i32, i32) {
    %c0_i32 = arith.constant 0 : i32
    %c0_i32_0 = arith.constant 0 : i32
    %c0_i32_1 = arith.constant 0 : i32
    return %c0_i32, %c0_i32_0 : i32, i32
  }
  func.func @transform_9(%arg0: i32) -> (i32, i32) {
    %c0_i32 = arith.constant 0 : i32
    %c0_i32_0 = arith.constant 0 : i32
    return %arg0, %c0_i32 : i32, i32
  }
}

</mosaic_0001>

<sc_bundles>
// kernel: kernel.6.cloned.1.call-start
scs
__scs_entry_jumppad:
0x0: {  	(pc) =	sbr.rel $0x88, $3  }
0x1: {  	(tag) =	ssettag $0x0;
	lr =	simm.s32 $0x1  }
0x2: {  	[smem:$0x3F99] =	sst lr;
	_ =	strace $0xD0000000  }
0x3: {  	_ = 	snop  }
0x4: {  	_ = 	snop  }
0x5: {  	_ = 	snop  }
0x6: {  	_ = 	snop  }
0x7: {  	_ = 	snop  }
__scs_overlays_trampoline_lowered:
0x8: {  	[smem:$0x3FA8] =	sst s0  }
0x9: {  	[smem:$0x3FA9] =	sst s1  }
0xa: {  	[smem:$0x3FAA] =	sst s2  }
0xb: {  	[smem:$0x3FAB] =	sst s3  }
0xc: {  	[smem:$0x3FAC] =	sst s4  }
0xd: {  	[smem:$0x3FAD] =	sst s5  }
0xe: {  	[smem:$0x3FAE] =	sst s6  }
0xf: {  	[smem:$0x3FAF] =	sst s7  }
0x10: {  	[smem:$0x3FB0] =	sst s8  }
0x11: {  	[smem:$0x3FB1] =	sst s9;
	s0 =	simm.s32 @!p0 $0x0  }
0x12: {  	s1 =	sld [smem:$0x3F97];
	s0 =	simm.s32 @p0 $0x1  }
0x13: {  	[smem:$0x3FB2] =	sst s0;
	s0 =	simm.s32 @!p1 $0x0  }
0x14: {  	s2 =	sld [smem:$0x3F96];
	s0 =	simm.s32 @p1 $0x1  }
0x15: {  	[smem:$0x3FB3] =	sst s0;
	s0 =	simm.s32 @!p2 $0x0  }
0x16: {  	s3 =	sld [smem:$0x3FDB];
	s0 =	simm.s32 @p2 $0x1  }
0x17: {  	s4 =	simm.s32 $0x1BF5;
	[smem:$0x3FB5] =	sst s0  }
0x18: {  	s0 =	sld [smem:$0x3F98];
	_ =	swait.ge [sflag:s4], $0x0  }
0x19: {  	s7 =	sld [smem:$0x3F99]  }
0x1a: {  	s8 =	sadd.s32 $0xFFFFE003, lr  }
0x1b: {  	s9 =	sadd.s32 $0xFFFFFEF7, lr;
	s5 =	simm.s32 $0xFFFFFFFF;
	p2 =	slt.u32 s8, $0xFFFFF086  }
0x1c: {  	p1 =	slt.u32 s9, $0xF7A;
	s5 =	simm.s32 @!p2 $0x0  }
0x1d: {  	s5 =	simm.s32 @p1 $0x1;
	p0 =	seq.s32 s7, s2  }
0x1e: {  	s7 =	smul.u32 @!p0 $0xF7A, s2;
	p2 =	seq.s32 @!p0 s5, $0x0  }
0x1f: {  	s9 =	smul.u32 $0xF7A, s1;
	s8 =	simm.s32 @!p0 $0x1BF5;
	p2 =	por !p2, p0  }
0x20: {  	[sflag:s8] =	ssyncset.s32 @!p0 $0xFFFFF086;
	s6 =	sadd.s32 @!p0 s3, s7;
	s7 =	simm.s32 @!p0 $0x108  }
0x21: {  	s3 =	sadd.s32 s3, s9;
	s6 =	sadd.s32 @!p0 $0x88, s6;
	s7 =	simm.s32 @p2 $0x1082  }
0x22: {  	[simem:s7], [sflag:s8] =	dma.local @!p0 [hbm:s6], $0xF7A  }
0x23: {  	s9 =	sor.u32 $0xD0000000, s2;
	s6 =	simm.s32 $0x108;
	_ =	swait.ge @!p0 [sflag:s8], $0x0  }
0x24: {  	s3 =	sadd.s32 $0x88, s3;
	s6 =	simm.s32 @!p1 $0x1082;
	[sflag:s4] =	ssyncset.s32 $0xFFFFF086  }
0x25: {  	[simem:s6], [sflag:s4] =	dma.local [hbm:s3], $0xF7A  }
0x26: {  	[smem:$0x3F99] =	sst s1;
	(tag) =	ssettag s2;
	_ =	strace s9  }
0x27: {  	s1 =	sld [smem:$0x3FA9]  }
0x28: {  	s2 =	sld [smem:$0x3FAA]  }
0x29: {  	s4 =	sld [smem:$0x3FAC]  }
0x2a: {  	p0 =	seq.s32 s5, $0x0;
	s5 =	sld [smem:$0x3FAD]  }
0x2b: {  	s6 =	sld [smem:$0x3FAE]  }
0x2c: {  	s7 =	sld [smem:$0x3FAF]  }
0x2d: {  	s3 =	simm.s32 $0x108;
	s8 =	sld [smem:$0x3FB0]  }
0x2e: {  	s3 =	simm.s32 @!p0 $0x1082;
	s9 =	sld [smem:$0x3FB1]  }
0x2f: {  	lr =	sadd.s32 s0, s3;
	s0 =	sld [smem:$0x3FA8]  }
0x30: {  	s3 =	sld [smem:$0x3FAB]  }
0x31: {  	[smem:$0x3FB4] =	sst s10  }
0x32: {  	s10 =	sld [smem:$0x3FB2];
	_ =	sdelay $0x3  }
0x33: {  	p0 =	seq.s32 s10, $0x1;
	s10 =	sld [smem:$0x3FB4];
	_ =	sdelay $0x3  }
0x34: {  	[smem:$0x3FB4] =	sst s10  }
0x35: {  	s10 =	sld [smem:$0x3FB3];
	_ =	sdelay $0x3  }
0x36: {  	p1 =	seq.s32 s10, $0x1;
	s10 =	sld [smem:$0x3FB4];
	_ =	sdelay $0x3  }
0x37: {  	[smem:$0x3FB4] =	sst s10  }
0x38: {  	s10 =	sld [smem:$0x3FB5]  }
0x39: {  	_ = 	snop;
	(pc) =	sbr.ind lr, $3  }
0x3a: {  	_ = 	snop  }
0x3b: {  	_ = 	snop  }
0x3c: {  	p2 =	seq.s32 s10, $0x1;
	s10 =	sld [smem:$0x3FB4]  }
0x3d: {  	_ =	shalt  }
0x3e: {  	_ =	shalt  }
0x3f: {  	_ =	shalt  }
0x40: {  	_ =	shalt  }
0x41: {  	_ =	shalt  }
0x42: {  	_ =	shalt  }
0x43: {  	_ =	shalt  }
0x44: {  	_ =	shalt  }
0x45: {  	_ =	shalt  }
0x46: {  	_ =	shalt  }
0x47: {  	_ =	shalt  }
0x48: {  	_ =	shalt  }
0x49: {  	_ =	shalt  }
0x4a: {  	_ =	shalt  }
0x4b: {  	_ =	shalt  }
0x4c: {  	_ =	shalt  }
0x4d: {  	_ =	shalt  }
0x4e: {  	_ =	shalt  }
0x4f: {  	_ =	shalt  }
0x50: {  	_ =	shalt  }
0x51: {  	_ =	shalt  }
0x52: {  	_ =	shalt  }
0x53: {  	_ =	shalt  }
0x54: {  	_ =	shalt  }
0x55: {  	_ =	shalt  }
0x56: {  	_ =	shalt  }
0x57: {  	_ =	shalt  }
0x58: {  	_ =	shalt  }
0x59: {  	_ =	shalt  }
0x5a: {  	_ =	shalt  }
0x5b: {  	_ =	shalt  }
0x5c: {  	_ =	shalt  }
0x5d: {  	_ =	shalt  }
0x5e: {  	_ =	shalt  }
0x5f: {  	_ =	shalt  }
0x60: {  	_ =	shalt  }
0x61: {  	_ =	shalt  }
0x62: {  	_ =	shalt  }
0x63: {  	_ =	shalt  }
0x64: {  	_ =	shalt  }
0x65: {  	_ =	shalt  }
0x66: {  	_ =	shalt  }
0x67: {  	_ =	shalt  }
0x68: {  	_ =	shalt  }
0x69: {  	_ =	shalt  }
0x6a: {  	_ =	shalt  }
0x6b: {  	_ =	shalt  }
0x6c: {  	_ =	shalt  }
0x6d: {  	_ =	shalt  }
0x6e: {  	_ =	shalt  }
0x6f: {  	_ =	shalt  }
0x70: {  	_ =	shalt  }
0x71: {  	_ =	shalt  }
0x72: {  	_ =	shalt  }
0x73: {  	_ =	shalt  }
0x74: {  	_ =	shalt  }
0x75: {  	_ =	shalt  }
0x76: {  	_ =	shalt  }
0x77: {  	_ =	shalt  }
0x78: {  	_ =	shalt  }
0x79: {  	_ =	shalt  }
0x7a: {  	_ =	shalt  }
0x7b: {  	_ =	shalt  }
0x7c: {  	_ =	shalt  }
0x7d: {  	_ =	shalt  }
0x7e: {  	_ =	shalt  }
0x7f: {  	_ =	shalt  }
0x80: {  	_ =	shalt  }
0x81: {  	_ =	shalt  }
0x82: {  	_ =	shalt  }
0x83: {  	_ =	shalt  }
0x84: {  	_ =	shalt  }
0x85: {  	_ =	shalt  }
0x86: {  	_ =	shalt  }
0x87: {  	_ =	shalt  }
.Lfunc_end0:
.L_simem_size_0:
called_computation_lowered:
.L_overlay_start_0:
0x88: {  	s2 =	sld [smem:$0x3FD9]  }
0x89: {  	s3 =	sld [smem:$0x3FFE];
	_ =	sdelay $0x1  }
0x8a: {  	s1 =	srdreg.scid  }
0x8b: {  	s0 =	sand.u32 $0x1, s1  }
0x8c: {  	s17 =	sshll.u32 s0, $0xA;
	s2 =	sadd.s32 s3, s2  }
0x8d: {  	s2 =	sadd.s32 s2, s17  }
0x8e: {  	[smem:$0x3FC0] =	sst s2  }
0x8f: {  	_ = 	snop  }
0x90: {  	s2 =	sld [smem:$0x3FD0];
	(tm) =	ssettm $0x1  }
0x91: {  	s18 =	sld [smem:$0x3FFB];
	_ =	sdelay $0x3  }
0x92: {  	_ =	strace s18  }
0x93: {  	s3 =	sld [smem:$0x3FFC];
	_ =	sdelay $0x3  }
0x94: {  	_ =	strace s3  }
0x95: {  	s3 =	sld [smem:$0x3FFD];
	_ =	sdelay $0x3  }
0x96: {  	_ =	strace s3  }
0x97: {  	_ =	strace $0x8FFFFFFF  }
0x98: {  	s19 =	sld [smem:$0x3FDB];
	_ =	sdelay $0x1  }
0x99: {  	s4 =	simm.s32 $_scs_section_size  }
0x9a: {  	s5 =	simm.s32 $_size__tile_overlayer_lowered;
	s6 =	simm.s32 $_tile_overlayer_lowered  }
0x9b: {  	s22 =	simm.s32 $0x1BFF;
	s21 =	sshll.u32 s6, $0x1;
	s3 =	sadd.s32 s4, s19  }
0x9c: {  	s7 =	simm.s32 $0x0;
	s20 =	sshll.u32 s5, $0x1;
	s5 =	sadd.s32 s21, s3  }
0x9d: {  	[timem:s7], [sflag:s22] =	dma.local [hbm:s5], s20  }
0x9e: {  	_ =	swait.ge [sflag:s22], s20  }
0x9f: {  	s4 =	ssub.s32 $0x0, s20;
	[sflag:s22] =	ssyncset.done $0x0  }
0xa0: {  	[sflag:s22] =	ssyncadd.s32 s4;
	_ =	sdelay $0x1  }
0xa1: {  	s23 =	simm.s32 $0x1B8B  }
0xa2: {  	_ =	swait.ge [sflag:s23], $0x1  }
0xa3: {  	[sflag:s23] =	ssyncset.done $0x0  }
0xa4: {  	s25 =	simm.s32 $0x1B8E;
	s24 =	sld [smem:$0x3FFE];
	[sflag:s23] =	ssyncadd.s32 $0xFFFFFFFF  }
0xa5: {  	s26 =	simm.s32 $execute0_lowered;
	[smem:$0x3FD2] =	sst s25  }
0xa6: {  	s5 =	sshll.u32 s26, $0x1;
	_ =	strace $0x80000046;
	[dreg:$0x1] =	wrdreg $0xFFFFFFFF  }
0xa7: {  	s28 =	simm.s32 $_size_execute0_lowered;
	s3 =	sadd.s32 s3, s5;
	[dreg:$0x0] =	wrdreg $0x0  }
0xa8: {  	s5 =	sshll.u32 s28, $0x1;
	[dreg:$0x2] =	wrdreg s3  }
0xa9: {  	[dreg:$0x3] =	wrdreg s5  }
0xaa: {  	[dreg:$0x4] =	wrdreg $0xC0  }
0xab: {  	_ =	task [dreg:s7], $0x5FFFF  }
0xac: {  	[dreg:$0x1] =	wrdreg $0xFFFFFFFF  }
0xad: {  	[dreg:$0x0] =	wrdreg $0x60  }
0xae: {  	[dreg:$0x2] =	wrdreg s2  }
0xaf: {  	[dreg:$0x3] =	wrdreg s24  }
0xb0: {  	[dreg:$0x4] =	wrdreg $0xAB000  }
0xb1: {  	[dreg:$0x5] =	wrdreg $0x1EB000  }
0xb2: {  	[dreg:$0x6] =	wrdreg $0x9  }
0xb3: {  	_ =	task.clear_ibuf [dreg:s7], $0x7FFFF;
	_ =	strace $0x90000046  }
0xb4: {  	s29 =	simm.s32 $0x9;
	_ =	strace $0x80000048  }
0xb5: {  	_ =	swait.ge [sflag:s29], $0x1  }
0xb6: {  	[sflag:s29] =	ssyncadd.s32 $0xFFFFFFFF  }
0xb7: {  	_ =	strace $0x90000048  }
0xb8: {  	_ =	sfence  }
0xb9: {  	s30 =	sld [smem:$0x0];
	_ =	sdelay $0x2  }
0xba: {  	s31 =	sshll.u32 s1, $0xD;
	s1 =	sshrl.u32 s1, $0x2  }
0xbb: {  	s3 =	sand.u32 $0x4000, s31;
	s1 =	sadd.s32 s1, s30  }
0xbc: {  	s0 =	sor.u32 s3, s0;
	s1 =	sshll.u32 s1, $0x11  }
0xbd: {  	s0 =	sor.u32 s1, s0  }
0xbe: {  	s0 =	sadd.s32 $0x8F2B, s0  }
0xbf: {  	[sflag:s0] =	ssyncadd.remote.s32 $0x1  }
0xc0: {  	_ =	sfence.sel $0xFFFF  }
0xc1: {  	[dreg:$0x0] =	wrdreg $0xFFFFFFFF;
	(pc) =	sbr.abs _section_cstart, $3  }
0xc2: {  	[dreg:$0x1] =	wrdreg $0xFFFFFFFF  }
0xc3: {  	_ =	task.clear_ibuf [dreg:s7], $0x2FFFF;
	_ =	strace $0x9FFFFFFF  }
0xc4: {  	(tm) =	ssettm $0x7FFFFFFF  }
0xc5: {  	_ =	shalt  }
tec
execute0_lowered:
.L_overlay_start_1:
0x0: {  	(tag) =	ssettag $0x1  }
0x1: {  	s1 =	rddreg [dreg:$0x0]  }
0x2: {  	s2 =	rddreg [dreg:$0x1]  }
0x3: {  	s3 =	rddreg [dreg:$0x2]  }
0x4: {  	s5 =	srdreg.scid;
	s0 =	stileid.u32  }
0x5: {  	s4 =	rddreg [dreg:$0x3];
	s7 =	simm.s32 $0x0;
	s19 =	simm.s32 $0x2800  }
0x6: {  	s20 =	simm.s32 $0x3;
	s21 =	simm.s32 $0xA880;
	s22 =	simm.s32 $0x1400  }
0x7: {  	s28 =	simm.s32 $0x2;
	s29 =	simm.s32 $0x2700;
	s30 =	simm.s32 $0x2780  }
0x8: {  	s31 =	simm.s32 $0x0;
	s5 =	sand.u32 $0x1, s5;
	s11 =	smul.u32 $0x280, s0  }
0x9: {  	[smem:$0x7FF] =	sst s7;
	s17 =	sadd.s32 $0xC600, s2;
	s8 =	smul.u32 $0x50000, s0  }
0xa: {  	s18 =	sadd.s32 $0x2600, s2;
	s6 =	smul.u32 $0x2800, s5;
	s24 =	ssub.s32 $0x2, s5  }
0xb: {  	_ =	strace $0x80000047;
	s5 =	sshll.u32 s5, $0x4;
	s25 =	sshrl.u32 s24, $0x1  }
0xc: {  	s8 =	sshrl.u32 s8, $0x2;
	s5 =	sor.u32 s0, s5;
	s6 =	sadd.s32 s11, s6  }
0xd: {  	s14 =	ssub.s32 s24, s25;
	s5 =	smul.u32 $0x500, s5;
	s11 =	sadd.s32 s11, s4  }
0xe: {  	s24 =	simm.s32 $0x6800;
	s25 =	simm.s32 $0x1;
	s23 =	sshll.u32 s6, $0x4  }
0xf: {  	s6 =	sshrl.u32 s6, $0x3;
	s14 =	smax.u32 s14, $0x1;
	s12 =	sadd.s32 s23, s2  }
0x10: {  	s2 =	sadd.s32 s6, s2;
	s6 =	sadd.s32 s8, s3;
	s15 =	sadd.s32 s17, s5  }
0x11: {  	s26 =	sadd.s32 $0x280, s5;
	s16 =	sadd.s32 s18, s5;
	s23 =	simm.s32 $0x80  }
0x12: {  	s7 =	sadd.s32 $0x4000, s6;
	s8 =	sadd.s32 $0x8000, s6;
	s9 =	sadd.s32 $0xC000, s6  }
0x13: {  	s10 =	sadd.s32 $0x10000, s6;
	s12 =	sadd.s32 $0x17000, s12;
	s13 =	sadd.s32 $0x16600, s2  }
0x14: {  	v0 =	vimm.f32 $1.000000000e+00;
	v1 =	vimm.f32 $0.0e+00;
	s17 =	sadd.s32 s17, s26;
	s18 =	sadd.s32 s18, s26;
	s26 =	simm.s32 $0xA800  }
.LBB2_1:
0x15: {  	[tilespmem:$0xA800] =	vst v0  }
0x16: {  	[tilespmem:$0xA810] =	vst v0  }
0x17: {  	[tilespmem:$0xA820] =	vst v0  }
0x18: {  	[tilespmem:$0xA830] =	vst v0  }
0x19: {  	[tilespmem:$0xA840] =	vst v0  }
0x1a: {  	[tilespmem:$0xA850] =	vst v0  }
0x1b: {  	[tilespmem:$0xA860] =	vst v0  }
0x1c: {  	[tilespmem:$0xA870] =	vst v0  }
0x1d: {  	[tilespmem:$0xA880] =	vst v1  }
0x1e: {  	[tilespmem:$0xA890] =	vst v1  }
0x1f: {  	[tilespmem:$0xA8A0] =	vst v1  }
0x20: {  	[tilespmem:$0xA8B0] =	vst v1  }
0x21: {  	[tilespmem:$0xA8C0] =	vst v1  }
0x22: {  	[tilespmem:$0xA8D0] =	vst v1  }
0x23: {  	[tilespmem:$0xA8E0] =	vst v1  }
0x24: {  	[tilespmem:$0xA8F0] =	vst v1  }
0x25: {  	[tilespmem:$0xA900] =	vst v1  }
0x26: {  	[tilespmem:$0xA910] =	vst v1  }
0x27: {  	[tilespmem:$0xA920] =	vst v1  }
0x28: {  	[tilespmem:$0xA930] =	vst v1  }
0x29: {  	[tilespmem:$0xA940] =	vst v1  }
0x2a: {  	[tilespmem:$0xA950] =	vst v1  }
0x2b: {  	[tilespmem:$0xA960] =	vst v1  }
0x2c: {  	[tilespmem:$0xA970] =	vst v1  }
0x2d: {  	[tilespmem:$0xA980] =	vst v1  }
0x2e: {  	[tilespmem:$0xA990] =	vst v1  }
0x2f: {  	[tilespmem:$0xA9A0] =	vst v1  }
0x30: {  	[tilespmem:$0xA9B0] =	vst v1  }
0x31: {  	[tilespmem:$0xA9C0] =	vst v1  }
0x32: {  	[tilespmem:$0xA9D0] =	vst v1  }
0x33: {  	[tilespmem:$0xA9E0] =	vst v1  }
0x34: {  	[tilespmem:$0xA9F0] =	vst v1  }
0x35: {  	[tilespmem:$0xAA00] =	vst v1  }
0x36: {  	[tilespmem:$0xAA10] =	vst v1  }
0x37: {  	[tilespmem:$0xAA20] =	vst v1  }
0x38: {  	[tilespmem:$0xAA30] =	vst v1  }
0x39: {  	[tilespmem:$0xAA40] =	vst v1  }
0x3a: {  	[tilespmem:$0xAA50] =	vst v1  }
0x3b: {  	[tilespmem:$0xAA60] =	vst v1  }
0x3c: {  	[tilespmem:$0xAA70] =	vst v1  }
0x3d: {  	[tilespmem:$0xAA80] =	vst v1  }
0x3e: {  	[tilespmem:$0xAA90] =	vst v1  }
0x3f: {  	[tilespmem:$0xAAA0] =	vst v1  }
0x40: {  	[tilespmem:$0xAAB0] =	vst v1  }
0x41: {  	[tilespmem:$0xAAC0] =	vst v1  }
0x42: {  	[tilespmem:$0xAAD0] =	vst v1  }
0x43: {  	[tilespmem:$0xAAE0] =	vst v1  }
0x44: {  	[tilespmem:$0xAAF0] =	vst v1;
	s2 =	simm.s32 $0x0;
	s5 =	simm.s32 $0x200  }
.LBB2_2:
0x45: {  	p0 =	sne.s32 s5, $0xFE00;
	[tilespmem:s2+$0x2870] =	vst v1  }
0x46: {  	[tilespmem:s2+$0x2800] =	vst v1  }
0x47: {  	[tilespmem:s2+$0x2810] =	vst v1  }
.Ltmp0:
0x48: {  	[tilespmem:s2+$0x2820] =	vst v1;
	(pc) =	sbr.rel @p0 .LBB2_2-.Ltmp0, $4  }
0x49: {  	[tilespmem:s2+$0x2830] =	vst v1  }
0x4a: {  	[tilespmem:s2+$0x2840] =	vst v1  }
0x4b: {  	[tilespmem:s2+$0x2850] =	vst v1  }
0x4c: {  	[tilespmem:s2+$0x2860] =	vst v1;
	s2 =	sshra.s32 s5, $0x2;
	s5 =	sadd.s32 $0x200, s5  }
0x4d: {  	[tilespmem:s2+$0x2870] =	vst v1  }
0x4e: {  	[tilespmem:s2+$0x2800] =	vst v1  }
0x4f: {  	[tilespmem:s2+$0x2810] =	vst v1  }
0x50: {  	[tilespmem:s2+$0x2820] =	vst v1  }
0x51: {  	[tilespmem:s2+$0x2830] =	vst v1  }
0x52: {  	[tilespmem:s2+$0x2840] =	vst v1  }
0x53: {  	[tilespmem:s2+$0x2850] =	vst v1  }
0x54: {  	[tilespmem:s2+$0x2860] =	vst v1  }
0x55: {  	[spmem:s6] =	stream.linear.scatter [tilespmem:s19], [sflag:$0x3], $0x4000, $0x38;
	[tilespmem:$0x1ED80] =	vst v63  }
0x56: {  	_ =	swait.ge [sflag:s20], $0x4000  }
0x57: {  	[sflag:s20] =	ssyncset.done $0x0  }
0x58: {  	[sflag:s20] =	ssyncadd.s32 $0xFFFFC000  }
0x59: {  	[spmem:s7] =	stream.linear.scatter [tilespmem:s19], [sflag:$0x3], $0x4000, $0x38;
	[tilespmem:$0x1ED80] =	vst v63  }
0x5a: {  	_ =	swait.ge [sflag:s20], $0x4000  }
0x5b: {  	[sflag:s20] =	ssyncset.done $0x0  }
0x5c: {  	[sflag:s20] =	ssyncadd.s32 $0xFFFFC000  }
0x5d: {  	[spmem:s8] =	stream.linear.scatter [tilespmem:s19], [sflag:$0x3], $0x4000, $0x38;
	[tilespmem:$0x1ED80] =	vst v63  }
0x5e: {  	_ =	swait.ge [sflag:s20], $0x4000  }
0x5f: {  	[sflag:s20] =	ssyncset.done $0x0  }
0x60: {  	[sflag:s20] =	ssyncadd.s32 $0xFFFFC000  }
0x61: {  	[spmem:s9] =	stream.linear.scatter [tilespmem:s19], [sflag:$0x3], $0x4000, $0x38;
	[tilespmem:$0x1ED80] =	vst v63  }
0x62: {  	_ =	swait.ge [sflag:s20], $0x4000  }
0x63: {  	[sflag:s20] =	ssyncset.done $0x0  }
0x64: {  	[sflag:s20] =	ssyncadd.s32 $0xFFFFC000  }
0x65: {  	[spmem:s10] =	stream.linear.scatter [tilespmem:s19], [sflag:$0x3], $0x4000, $0x38;
	[tilespmem:$0x1ED80] =	vst v63  }
0x66: {  	_ =	swait.ge [sflag:s20], $0x4000  }
0x67: {  	[sflag:s20] =	ssyncset.done $0x0  }
0x68: {  	[sflag:s20] =	ssyncadd.s32 $0xFFFFC000  }
0x69: {  	[spmem:s11] =	stream.linear.scatter [tilespmem:s21], [sflag:$0x3], $0x280, $0x38;
	[tilespmem:$0x1ED80] =	vst v63  }
0x6a: {  	_ =	swait.ge [sflag:s20], $0x280  }
0x6b: {  	[sflag:s20] =	ssyncset.done $0x0  }
0x6c: {  	[sflag:s20] =	ssyncadd.s32 $0xFFFFFD80  }
0x6d: {  	s0 =	simm.s32 $0x0;
	[bflag:$0x0] =	sbarrier.arrive $0xFFFF  }
0x6e: {  	[tilespmem:s0], [sflag:$0x3] =	stream.linear.gather [hbm4b:s15+s0], $0x1400, $0x38;
	[tilespmem:$0x1ED80] =	vst v63  }
0x6f: {  	_ =	swait.ge [sflag:s20], $0x1400  }
0x70: {  	[sflag:s20] =	ssyncset.done $0x0  }
0x71: {  	[sflag:s20] =	ssyncadd.s32 $0xFFFFEC00  }
0x72: {  	[tilespmem:s22], [sflag:$0x3] =	stream.linear.gather [hbm4b:s16+s0], $0x1400, $0x38;
	[tilespmem:$0x1ED80] =	vst v63  }
0x73: {  	_ =	swait.ge [sflag:s20], $0x1400  }
0x74: {  	[sflag:s20] =	ssyncset.done $0x0  }
0x75: {  	[sflag:s20] =	ssyncadd.s32 $0xFFFFEC00  }
0x76: {  	[tilespmem:s19], [sflag:$0x1] =	stream.indirect.gather [hbm4b:s1+s23], $0x80, s0, s23, $0xb8;
	[tilespmem:$0x1ED80] =	vst v63  }
0x77: {  	_ = 	snop  }
0x78: {  	[tilespmem:s24], [sflag:$0x2] =	stream.indirect.gather [hbm4b:s1+s23], $0x80, s23, s23, $0xb8;
	[tilespmem:$0x1ED80] =	vst v63  }
0x79: {  	_ =	swait.ge [sflag:s25], $0x4000  }
0x7a: {  	[sflag:s25] =	ssyncset.done $0x0  }
0x7b: {  	s5 =	simm.s32 $0x1400;
	[sflag:s25] =	ssyncadd.s32 $0xFFFFC000  }
0x7c: {  	[spmem:s3] =	stream.indirect.scatter.add.f32 [tilespmem:s19], [sflag:$0x3], $0x80, s5, s23, $0xb8;
	[tilespmem:$0x1ED80] =	vst v63  }
0x7d: {  	_ =	swait.ge [sflag:s20], $0x4000  }
0x7e: {  	[sflag:s20] =	ssyncset.done $0x0  }
0x7f: {  	[sflag:s20] =	ssyncadd.s32 $0xFFFFC000  }
0x80: {  	[spmem:s4] =	stream.indirect.scatter.add.f32 [tilespmem:s26], [sflag:$0x3], $0x1, s5, s23, $0xb8;
	[tilespmem:$0x1ED80] =	vst v63  }
0x81: {  	_ =	swait.ge [sflag:s20], $0x80  }
0x82: {  	[sflag:s20] =	ssyncset.done $0x0  }
0x83: {  	s0 =	simm.s32 $0x100;
	[sflag:s20] =	ssyncadd.s32 $0xFFFFFF80  }
0x84: {  	[tilespmem:s19], [sflag:$0x1] =	stream.indirect.gather [hbm4b:s1+s23], $0x80, s0, s23, $0xb8;
	[tilespmem:$0x1ED80] =	vst v63  }
0x85: {  	_ =	swait.ge [sflag:s28], $0x4000  }
0x86: {  	[sflag:s28] =	ssyncset.done $0x0  }
0x87: {  	s5 =	simm.s32 $0x1480;
	[sflag:s28] =	ssyncadd.s32 $0xFFFFC000  }
0x88: {  	[spmem:s3] =	stream.indirect.scatter.add.f32 [tilespmem:s24], [sflag:$0x3], $0x80, s5, s23, $0xb8;
	[tilespmem:$0x1ED80] =	vst v63  }
0x89: {  	_ =	swait.ge [sflag:s20], $0x4000  }
0x8a: {  	[sflag:s20] =	ssyncset.done $0x0  }
0x8b: {  	[sflag:s20] =	ssyncadd.s32 $0xFFFFC000  }
0x8c: {  	[spmem:s4] =	stream.indirect.scatter.add.f32 [tilespmem:s26], [sflag:$0x3], $0x1, s5, s23, $0xb8;
	[tilespmem:$0x1ED80] =	vst v63  }
0x8d: {  	_ =	swait.ge [sflag:s20], $0x80  }
0x8e: {  	[sflag:s20] =	ssyncset.done $0x0  }
0x8f: {  	s2 =	simm.s32 $0x400;
	s5 =	simm.s32 $0x180;
	[sflag:s20] =	ssyncadd.s32 $0xFFFFFF80  }
.LBB2_4:
0x90: {  	[tilespmem:s24], [sflag:$0x2] =	stream.indirect.gather [hbm4b:s1+s23], $0x80, s5, s23, $0xb8;
	[tilespmem:$0x1ED80] =	vst v63  }
0x91: {  	s5 =	smov.u32 s2  }
0x92: {  	p0 =	sne.s32 s2, $0x4800;
	s2 =	sadd.s32 $0x400, s2;
	_ =	swait.ge [sflag:s25], $0x4000  }
0x93: {  	s5 =	sshra.s32 s5, $0x2;
	[sflag:s25] =	ssyncset.done $0x0  }
0x94: {  	s0 =	sadd.s32 $0x1400, s5;
	[sflag:s25] =	ssyncadd.s32 $0xFFFFC000  }
0x95: {  	[spmem:s3] =	stream.indirect.scatter.add.f32 [tilespmem:s19], [sflag:$0x3], $0x80, s0, s23, $0xb8;
	[tilespmem:$0x1ED80] =	vst v63  }
0x96: {  	_ =	swait.ge [sflag:s20], $0x4000  }
0x97: {  	[sflag:s20] =	ssyncset.done $0x0  }
0x98: {  	[sflag:s20] =	ssyncadd.s32 $0xFFFFC000  }
0x99: {  	[spmem:s4] =	stream.indirect.scatter.add.f32 [tilespmem:s26], [sflag:$0x3], $0x1, s0, s23, $0xb8;
	[tilespmem:$0x1ED80] =	vst v63  }
0x9a: {  	_ =	swait.ge [sflag:s20], $0x80  }
0x9b: {  	[sflag:s20] =	ssyncset.done $0x0  }
0x9c: {  	s0 =	sadd.s32 $0x100, s5;
	[sflag:s20] =	ssyncadd.s32 $0xFFFFFF80  }
0x9d: {  	[tilespmem:s19], [sflag:$0x1] =	stream.indirect.gather [hbm4b:s1+s23], $0x80, s0, s23, $0xb8;
	[tilespmem:$0x1ED80] =	vst v63  }
0x9e: {  	_ =	swait.ge [sflag:s28], $0x4000  }
0x9f: {  	[sflag:s28] =	ssyncset.done $0x0  }
0xa0: {  	s0 =	sadd.s32 $0x1480, s5;
	[sflag:s28] =	ssyncadd.s32 $0xFFFFC000  }
0xa1: {  	[spmem:s3] =	stream.indirect.scatter.add.f32 [tilespmem:s24], [sflag:$0x3], $0x80, s0, s23, $0xb8;
	[tilespmem:$0x1ED80] =	vst v63  }
0xa2: {  	_ =	swait.ge [sflag:s20], $0x4000  }
0xa3: {  	[sflag:s20] =	ssyncset.done $0x0  }
.Ltmp1:
0xa4: {  	[sflag:s20] =	ssyncadd.s32 $0xFFFFC000;
	(pc) =	sbr.rel @p0 .LBB2_4-.Ltmp1, $4  }
0xa5: {  	[spmem:s4] =	stream.indirect.scatter.add.f32 [tilespmem:s26], [sflag:$0x3], $0x1, s0, s23, $0xb8;
	[tilespmem:$0x1ED80] =	vst v63  }
0xa6: {  	_ =	swait.ge [sflag:s20], $0x80  }
0xa7: {  	[sflag:s20] =	ssyncset.done $0x0  }
0xa8: {  	s5 =	sadd.s32 $0x180, s5;
	[sflag:s20] =	ssyncadd.s32 $0xFFFFFF80  }
0xa9: {  	[tilespmem:s24], [sflag:$0x2] =	stream.indirect.gather [hbm4b:s1+s23], $0x80, s5, s23, $0xb8;
	[tilespmem:$0x1ED80] =	vst v63  }
0xaa: {  	_ =	swait.ge [sflag:s25], $0x4000  }
0xab: {  	[sflag:s25] =	ssyncset.done $0x0  }
0xac: {  	[sflag:s25] =	ssyncadd.s32 $0xFFFFC000  }
0xad: {  	[spmem:s3] =	stream.indirect.scatter.add.f32 [tilespmem:s19], [sflag:$0x3], $0x80, s29, s23, $0xb8;
	[tilespmem:$0x1ED80] =	vst v63  }
0xae: {  	_ =	swait.ge [sflag:s20], $0x4000  }
0xaf: {  	[sflag:s20] =	ssyncset.done $0x0  }
0xb0: {  	[sflag:s20] =	ssyncadd.s32 $0xFFFFC000  }
0xb1: {  	[spmem:s4] =	stream.indirect.scatter.add.f32 [tilespmem:s26], [sflag:$0x3], $0x1, s29, s23, $0xb8;
	[tilespmem:$0x1ED80] =	vst v63  }
0xb2: {  	_ =	swait.ge [sflag:s20], $0x80  }
0xb3: {  	[sflag:s20] =	ssyncset.done $0x0  }
0xb4: {  	[sflag:s20] =	ssyncadd.s32 $0xFFFFFF80  }
0xb5: {  	_ =	swait.ge [sflag:s28], $0x4000  }
0xb6: {  	[sflag:s28] =	ssyncset.done $0x0  }
0xb7: {  	[sflag:s28] =	ssyncadd.s32 $0xFFFFC000  }
0xb8: {  	[spmem:s3] =	stream.indirect.scatter.add.f32 [tilespmem:s24], [sflag:$0x3], $0x80, s30, s23, $0xb8;
	[tilespmem:$0x1ED80] =	vst v63  }
0xb9: {  	_ =	swait.ge [sflag:s20], $0x4000  }
0xba: {  	[sflag:s20] =	ssyncset.done $0x0  }
0xbb: {  	[sflag:s20] =	ssyncadd.s32 $0xFFFFC000  }
0xbc: {  	[spmem:s4] =	stream.indirect.scatter.add.f32 [tilespmem:s26], [sflag:$0x3], $0x1, s30, s23, $0xb8;
	[tilespmem:$0x1ED80] =	vst v63  }
0xbd: {  	_ =	swait.ge [sflag:s20], $0x80  }
0xbe: {  	[sflag:s20] =	ssyncset.done $0x0  }
0xbf: {  	s0 =	simm.s32 $0x0;
	[sflag:s20] =	ssyncadd.s32 $0xFFFFFF80  }
0xc0: {  	[tilespmem:s0], [sflag:$0x3] =	stream.linear.gather [hbm4b:s17+s0], $0x1400, $0x38;
	[tilespmem:$0x1ED80] =	vst v63  }
0xc1: {  	_ =	swait.ge [sflag:s20], $0x1400  }
0xc2: {  	[sflag:s20] =	ssyncset.done $0x0  }
0xc3: {  	[sflag:s20] =	ssyncadd.s32 $0xFFFFEC00  }
0xc4: {  	[tilespmem:s22], [sflag:$0x3] =	stream.linear.gather [hbm4b:s18+s0], $0x1400, $0x38;
	[tilespmem:$0x1ED80] =	vst v63  }
0xc5: {  	_ =	swait.ge [sflag:s20], $0x1400  }
0xc6: {  	[sflag:s20] =	ssyncset.done $0x0  }
0xc7: {  	[sflag:s20] =	ssyncadd.s32 $0xFFFFEC00  }
0xc8: {  	[tilespmem:s19], [sflag:$0x1] =	stream.indirect.gather [hbm4b:s1+s23], $0x80, s0, s23, $0xb8;
	[tilespmem:$0x1ED80] =	vst v63  }
0xc9: {  	_ = 	snop  }
0xca: {  	[tilespmem:s24], [sflag:$0x2] =	stream.indirect.gather [hbm4b:s1+s23], $0x80, s23, s23, $0xb8;
	[tilespmem:$0x1ED80] =	vst v63  }
0xcb: {  	_ =	swait.ge [sflag:s25], $0x4000  }
0xcc: {  	[sflag:s25] =	ssyncset.done $0x0  }
0xcd: {  	s5 =	simm.s32 $0x1400;
	[sflag:s25] =	ssyncadd.s32 $0xFFFFC000  }
0xce: {  	[spmem:s3] =	stream.indirect.scatter.add.f32 [tilespmem:s19], [sflag:$0x3], $0x80, s5, s23, $0xb8;
	[tilespmem:$0x1ED80] =	vst v63  }
0xcf: {  	_ =	swait.ge [sflag:s20], $0x4000  }
0xd0: {  	[sflag:s20] =	ssyncset.done $0x0  }
0xd1: {  	[sflag:s20] =	ssyncadd.s32 $0xFFFFC000  }
0xd2: {  	[spmem:s4] =	stream.indirect.scatter.add.f32 [tilespmem:s26], [sflag:$0x3], $0x1, s5, s23, $0xb8;
	[tilespmem:$0x1ED80] =	vst v63  }
0xd3: {  	_ =	swait.ge [sflag:s20], $0x80  }
0xd4: {  	[sflag:s20] =	ssyncset.done $0x0  }
0xd5: {  	s2 =	simm.s32 $0x100;
	[sflag:s20] =	ssyncadd.s32 $0xFFFFFF80  }
0xd6: {  	[tilespmem:s19], [sflag:$0x1] =	stream.indirect.gather [hbm4b:s1+s23], $0x80, s2, s23, $0xb8;
	[tilespmem:$0x1ED80] =	vst v63  }
0xd7: {  	_ =	swait.ge [sflag:s28], $0x4000  }
0xd8: {  	[sflag:s28] =	ssyncset.done $0x0  }
0xd9: {  	s5 =	simm.s32 $0x1480;
	[sflag:s28] =	ssyncadd.s32 $0xFFFFC000  }
0xda: {  	[spmem:s3] =	stream.indirect.scatter.add.f32 [tilespmem:s24], [sflag:$0x3], $0x80, s5, s23, $0xb8;
	[tilespmem:$0x1ED80] =	vst v63  }
0xdb: {  	_ =	swait.ge [sflag:s20], $0x4000  }
0xdc: {  	[sflag:s20] =	ssyncset.done $0x0  }
0xdd: {  	[sflag:s20] =	ssyncadd.s32 $0xFFFFC000  }
0xde: {  	[spmem:s4] =	stream.indirect.scatter.add.f32 [tilespmem:s26], [sflag:$0x3], $0x1, s5, s23, $0xb8;
	[tilespmem:$0x1ED80] =	vst v63  }
0xdf: {  	_ =	swait.ge [sflag:s20], $0x80  }
0xe0: {  	[sflag:s20] =	ssyncset.done $0x0  }
0xe1: {  	s2 =	simm.s32 $0x400;
	s5 =	simm.s32 $0x180;
	[sflag:s20] =	ssyncadd.s32 $0xFFFFFF80  }
.LBB2_6:
0xe2: {  	[tilespmem:s24], [sflag:$0x2] =	stream.indirect.gather [hbm4b:s1+s23], $0x80, s5, s23, $0xb8;
	[tilespmem:$0x1ED80] =	vst v63  }
0xe3: {  	s0 =	smov.u32 s2  }
0xe4: {  	p0 =	sne.s32 s2, $0x4800;
	s2 =	sadd.s32 $0x400, s2;
	_ =	swait.ge [sflag:s25], $0x4000  }
0xe5: {  	s0 =	sshra.s32 s0, $0x2;
	[sflag:s25] =	ssyncset.done $0x0  }
0xe6: {  	s5 =	sadd.s32 $0x1400, s0;
	[sflag:s25] =	ssyncadd.s32 $0xFFFFC000  }
0xe7: {  	[spmem:s3] =	stream.indirect.scatter.add.f32 [tilespmem:s19], [sflag:$0x3], $0x80, s5, s23, $0xb8;
	[tilespmem:$0x1ED80] =	vst v63  }
0xe8: {  	_ =	swait.ge [sflag:s20], $0x4000  }
0xe9: {  	[sflag:s20] =	ssyncset.done $0x0  }
0xea: {  	[sflag:s20] =	ssyncadd.s32 $0xFFFFC000  }
0xeb: {  	[spmem:s4] =	stream.indirect.scatter.add.f32 [tilespmem:s26], [sflag:$0x3], $0x1, s5, s23, $0xb8;
	[tilespmem:$0x1ED80] =	vst v63  }
0xec: {  	_ =	swait.ge [sflag:s20], $0x80  }
0xed: {  	[sflag:s20] =	ssyncset.done $0x0  }
0xee: {  	s5 =	sadd.s32 $0x100, s0;
	[sflag:s20] =	ssyncadd.s32 $0xFFFFFF80  }
0xef: {  	[tilespmem:s19], [sflag:$0x1] =	stream.indirect.gather [hbm4b:s1+s23], $0x80, s5, s23, $0xb8;
	[tilespmem:$0x1ED80] =	vst v63  }
0xf0: {  	_ =	swait.ge [sflag:s28], $0x4000  }
0xf1: {  	[sflag:s28] =	ssyncset.done $0x0  }
0xf2: {  	s5 =	sadd.s32 $0x1480, s0;
	[sflag:s28] =	ssyncadd.s32 $0xFFFFC000  }
0xf3: {  	[spmem:s3] =	stream.indirect.scatter.add.f32 [tilespmem:s24], [sflag:$0x3], $0x80, s5, s23, $0xb8;
	[tilespmem:$0x1ED80] =	vst v63  }
0xf4: {  	_ =	swait.ge [sflag:s20], $0x4000  }
0xf5: {  	[sflag:s20] =	ssyncset.done $0x0  }
.Ltmp2:
0xf6: {  	[sflag:s20] =	ssyncadd.s32 $0xFFFFC000;
	(pc) =	sbr.rel @p0 .LBB2_6-.Ltmp2, $4  }
0xf7: {  	[spmem:s4] =	stream.indirect.scatter.add.f32 [tilespmem:s26], [sflag:$0x3], $0x1, s5, s23, $0xb8;
	[tilespmem:$0x1ED80] =	vst v63  }
0xf8: {  	_ =	swait.ge [sflag:s20], $0x80  }
0xf9: {  	[sflag:s20] =	ssyncset.done $0x0  }
0xfa: {  	s5 =	sadd.s32 $0x180, s0;
	[sflag:s20] =	ssyncadd.s32 $0xFFFFFF80  }
0xfb: {  	[tilespmem:s24], [sflag:$0x2] =	stream.indirect.gather [hbm4b:s1+s23], $0x80, s5, s23, $0xb8;
	[tilespmem:$0x1ED80] =	vst v63  }
0xfc: {  	_ =	swait.ge [sflag:s25], $0x4000  }
0xfd: {  	[sflag:s25] =	ssyncset.done $0x0  }
0xfe: {  	[sflag:s25] =	ssyncadd.s32 $0xFFFFC000  }
0xff: {  	[spmem:s3] =	stream.indirect.scatter.add.f32 [tilespmem:s19], [sflag:$0x3], $0x80, s29, s23, $0xb8;
	[tilespmem:$0x1ED80] =	vst v63  }
0x100: {  	_ =	swait.ge [sflag:s20], $0x4000  }
0x101: {  	[sflag:s20] =	ssyncset.done $0x0  }
0x102: {  	[sflag:s20] =	ssyncadd.s32 $0xFFFFC000  }
0x103: {  	[spmem:s4] =	stream.indirect.scatter.add.f32 [tilespmem:s26], [sflag:$0x3], $0x1, s29, s23, $0xb8;
	[tilespmem:$0x1ED80] =	vst v63  }
0x104: {  	_ =	swait.ge [sflag:s20], $0x80  }
0x105: {  	[sflag:s20] =	ssyncset.done $0x0  }
0x106: {  	[sflag:s20] =	ssyncadd.s32 $0xFFFFFF80  }
0x107: {  	_ =	swait.ge [sflag:s28], $0x4000  }
0x108: {  	[sflag:s28] =	ssyncset.done $0x0  }
0x109: {  	[sflag:s28] =	ssyncadd.s32 $0xFFFFC000  }
0x10a: {  	[spmem:s3] =	stream.indirect.scatter.add.f32 [tilespmem:s24], [sflag:$0x3], $0x80, s30, s23, $0xb8;
	[tilespmem:$0x1ED80] =	vst v63  }
0x10b: {  	_ =	swait.ge [sflag:s20], $0x4000  }
0x10c: {  	[sflag:s20] =	ssyncset.done $0x0  }
0x10d: {  	[sflag:s20] =	ssyncadd.s32 $0xFFFFC000  }
0x10e: {  	[spmem:s4] =	stream.indirect.scatter.add.f32 [tilespmem:s26], [sflag:$0x3], $0x1, s30, s23, $0xb8;
	[tilespmem:$0x1ED80] =	vst v63  }
0x10f: {  	_ =	swait.ge [sflag:s20], $0x80  }
0x110: {  	s0 =	stileid.u32;
	[sflag:s20] =	ssyncset.done $0x0  }
0x111: {  	s0 =	sshll.u32 s0, $0x6;
	[sflag:s20] =	ssyncadd.s32 $0xFFFFFF80  }
0x112: {  	s2 =	sshrl.u32 s6, $0x3;
	s0 =	sor.u32 $0x1C03, s0;
	[bflag:$0x0] =	sbarrier.arrive $0xFFFF  }
0x113: {  	[hbm:s12], [sflag:s0] =	dma.local [spmem:s2], $0x2800  }
0x114: {  	_ =	swait.ge [sflag:s20], $0x2800  }
0x115: {  	[sflag:s20] =	ssyncset.done $0x0  }
0x116: {  	[sflag:s20] =	ssyncadd.s32 $0xFFFFD800  }
0x117: {  	[tilespmem:s21], [sflag:$0x3] =	stream.linear.gather [spmem:s11], $0x280, $0x38;
	[tilespmem:$0x1ED80] =	vst v63  }
0x118: {  	s31 =	sadd.s32 $0x1, s31;
	_ =	swait.ge [sflag:s20], $0x280  }
0x119: {  	p0 =	sne.s32 s31, s14;
	[sflag:s20] =	ssyncset.done $0x0  }
.Ltmp3:
0x11a: {  	s5 =	simm.s32 $0x0;
	[sflag:s20] =	ssyncadd.s32 $0xFFFFFD80;
	(pc) =	sbr.rel @p0 .LBB2_1-.Ltmp3, $4  }
0x11b: {  	[hbm4b:s13+s5] =	stream.linear.scatter [tilespmem:s21], [sflag:$0x3], $0x280, $0x38;
	[tilespmem:$0x1ED80] =	vst v63  }
0x11c: {  	_ =	swait.ge [sflag:s20], $0x280  }
0x11d: {  	[sflag:s20] =	ssyncset.done $0x0  }
0x11e: {  	[sflag:s20] =	ssyncadd.s32 $0xFFFFFD80  }
0x11f: {  	_ =	sfence.sel $0x180000  }
0x120: {  	[bflag:$0x0] =	sbarrier.arrive $0xFFFF  }
0x121: {  	_ =	strace $0x90000047  }
0x122: {  	s0 =	stileid.u32;
	[bflag:$0x2] =	sbarrier.arrive $0xFFFF  }
0x123: {  	p0 =	sne.s32 s0, $0x0;
	s0 =	rddreg [dreg:$0x4]  }
0x124: {  	s0 =	sadd.s32 @!p0 $0x100000, s0  }
0x125: {  	[sflag:s0] =	ssyncadd.tile.s32 @!p0 $0x1;
	_ =	shalt  }
.Lfunc_end2:
_tile_overlayer_lowered:
.L_overlay_start_2:
0x126: {  	(tag) =	ssettag $0x2  }
0x127: {  	s0 =	rddreg [dreg:$0x0];
	s2 =	stileid.u32  }
0x128: {  	s1 =	rddreg [dreg:$0x1];
	p0 =	sne.s32 s2, $0x0  }
0x129: {  	s3 =	rddreg [dreg:$0x2];
	[bflag:$0x3] =	sbarrier.arrive $0xFFFF;
	s2 =	simm.s32 @!p0 $0x1C03  }
0x12a: {  	[timem:s3], [sflag:s2] =	dma.local @!p0 [hbm:s0], s1  }
0x12b: {  	s0 =	simm.s32 @!p0 $0x3  }
0x12c: {  	_ =	swait.ge @!p0 [sflag:s0], s1  }
0x12d: {  	s1 =	ssub.s32 @!p0 $0x0, s1;
	[sflag:s0] =	ssyncset.done @!p0 $0x0  }
0x12e: {  	[sflag:s0] =	ssyncadd.s32 @!p0 s1  }
0x12f: {  	[bflag:$0x3] =	sbarrier.arrive $0xFFFF  }
0x130: {  	_ =	shalt  }

// kernel: kernel.9.cloned.1.call-start
scs
__scs_entry_jumppad:
0x0: {  	(pc) =	sbr.rel $0x88, $3  }
0x1: {  	(tag) =	ssettag $0x0;
	lr =	simm.s32 $0x1  }
0x2: {  	[smem:$0x3F99] =	sst lr;
	_ =	strace $0xD0000000  }
0x3: {  	_ = 	snop  }
0x4: {  	_ = 	snop  }
0x5: {  	_ = 	snop  }
0x6: {  	_ = 	snop  }
0x7: {  	_ = 	snop  }
__scs_overlays_trampoline_lowered:
0x8: {  	[smem:$0x3FA8] =	sst s0  }
0x9: {  	[smem:$0x3FA9] =	sst s1  }
0xa: {  	[smem:$0x3FAA] =	sst s2  }
0xb: {  	[smem:$0x3FAB] =	sst s3  }
0xc: {  	[smem:$0x3FAC] =	sst s4  }
0xd: {  	[smem:$0x3FAD] =	sst s5  }
0xe: {  	[smem:$0x3FAE] =	sst s6  }
0xf: {  	[smem:$0x3FAF] =	sst s7  }
0x10: {  	[smem:$0x3FB0] =	sst s8  }
0x11: {  	[smem:$0x3FB1] =	sst s9;
	s0 =	simm.s32 @!p0 $0x0  }
0x12: {  	s1 =	sld [smem:$0x3F97];
	s0 =	simm.s32 @p0 $0x1  }
0x13: {  	[smem:$0x3FB2] =	sst s0;
	s0 =	simm.s32 @!p1 $0x0  }
0x14: {  	s2 =	sld [smem:$0x3F96];
	s0 =	simm.s32 @p1 $0x1  }
0x15: {  	[smem:$0x3FB3] =	sst s0;
	s0 =	simm.s32 @!p2 $0x0  }
0x16: {  	s3 =	sld [smem:$0x3FDB];
	s0 =	simm.s32 @p2 $0x1  }
0x17: {  	s4 =	simm.s32 $0x1BF5;
	[smem:$0x3FB5] =	sst s0  }
0x18: {  	s0 =	sld [smem:$0x3F98];
	_ =	swait.ge [sflag:s4], $0x0  }
0x19: {  	s7 =	sld [smem:$0x3F99]  }
0x1a: {  	s8 =	sadd.s32 $0xFFFFE003, lr  }
0x1b: {  	s9 =	sadd.s32 $0xFFFFFEF7, lr;
	s5 =	simm.s32 $0xFFFFFFFF;
	p2 =	slt.u32 s8, $0xFFFFF086  }
0x1c: {  	p1 =	slt.u32 s9, $0xF7A;
	s5 =	simm.s32 @!p2 $0x0  }
0x1d: {  	s5 =	simm.s32 @p1 $0x1;
	p0 =	seq.s32 s7, s2  }
0x1e: {  	s7 =	smul.u32 @!p0 $0xF7A, s2;
	p2 =	seq.s32 @!p0 s5, $0x0  }
0x1f: {  	s9 =	smul.u32 $0xF7A, s1;
	s8 =	simm.s32 @!p0 $0x1BF5;
	p2 =	por !p2, p0  }
0x20: {  	[sflag:s8] =	ssyncset.s32 @!p0 $0xFFFFF086;
	s6 =	sadd.s32 @!p0 s3, s7;
	s7 =	simm.s32 @!p0 $0x108  }
0x21: {  	s3 =	sadd.s32 s3, s9;
	s6 =	sadd.s32 @!p0 $0x88, s6;
	s7 =	simm.s32 @p2 $0x1082  }
0x22: {  	[simem:s7], [sflag:s8] =	dma.local @!p0 [hbm:s6], $0xF7A  }
0x23: {  	s9 =	sor.u32 $0xD0000000, s2;
	s6 =	simm.s32 $0x108;
	_ =	swait.ge @!p0 [sflag:s8], $0x0  }
0x24: {  	s3 =	sadd.s32 $0x88, s3;
	s6 =	simm.s32 @!p1 $0x1082;
	[sflag:s4] =	ssyncset.s32 $0xFFFFF086  }
0x25: {  	[simem:s6], [sflag:s4] =	dma.local [hbm:s3], $0xF7A  }
0x26: {  	[smem:$0x3F99] =	sst s1;
	(tag) =	ssettag s2;
	_ =	strace s9  }
0x27: {  	s1 =	sld [smem:$0x3FA9]  }
0x28: {  	s2 =	sld [smem:$0x3FAA]  }
0x29: {  	s4 =	sld [smem:$0x3FAC]  }
0x2a: {  	p0 =	seq.s32 s5, $0x0;
	s5 =	sld [smem:$0x3FAD]  }
0x2b: {  	s6 =	sld [smem:$0x3FAE]  }
0x2c: {  	s7 =	sld [smem:$0x3FAF]  }
0x2d: {  	s3 =	simm.s32 $0x108;
	s8 =	sld [smem:$0x3FB0]  }
0x2e: {  	s3 =	simm.s32 @!p0 $0x1082;
	s9 =	sld [smem:$0x3FB1]  }
0x2f: {  	lr =	sadd.s32 s0, s3;
	s0 =	sld [smem:$0x3FA8]  }
0x30: {  	s3 =	sld [smem:$0x3FAB]  }
0x31: {  	[smem:$0x3FB4] =	sst s10  }
0x32: {  	s10 =	sld [smem:$0x3FB2];
	_ =	sdelay $0x3  }
0x33: {  	p0 =	seq.s32 s10, $0x1;
	s10 =	sld [smem:$0x3FB4];
	_ =	sdelay $0x3  }
0x34: {  	[smem:$0x3FB4] =	sst s10  }
0x35: {  	s10 =	sld [smem:$0x3FB3];
	_ =	sdelay $0x3  }
0x36: {  	p1 =	seq.s32 s10, $0x1;
	s10 =	sld [smem:$0x3FB4];
	_ =	sdelay $0x3  }
0x37: {  	[smem:$0x3FB4] =	sst s10  }
0x38: {  	s10 =	sld [smem:$0x3FB5]  }
0x39: {  	_ = 	snop;
	(pc) =	sbr.ind lr, $3  }
0x3a: {  	_ = 	snop  }
0x3b: {  	_ = 	snop  }
0x3c: {  	p2 =	seq.s32 s10, $0x1;
	s10 =	sld [smem:$0x3FB4]  }
0x3d: {  	_ =	shalt  }
0x3e: {  	_ =	shalt  }
0x3f: {  	_ =	shalt  }
0x40: {  	_ =	shalt  }
0x41: {  	_ =	shalt  }
0x42: {  	_ =	shalt  }
0x43: {  	_ =	shalt  }
0x44: {  	_ =	shalt  }
0x45: {  	_ =	shalt  }
0x46: {  	_ =	shalt  }
0x47: {  	_ =	shalt  }
0x48: {  	_ =	shalt  }
0x49: {  	_ =	shalt  }
0x4a: {  	_ =	shalt  }
0x4b: {  	_ =	shalt  }
0x4c: {  	_ =	shalt  }
0x4d: {  	_ =	shalt  }
0x4e: {  	_ =	shalt  }
0x4f: {  	_ =	shalt  }
0x50: {  	_ =	shalt  }
0x51: {  	_ =	shalt  }
0x52: {  	_ =	shalt  }
0x53: {  	_ =	shalt  }
0x54: {  	_ =	shalt  }
0x55: {  	_ =	shalt  }
0x56: {  	_ =	shalt  }
0x57: {  	_ =	shalt  }
0x58: {  	_ =	shalt  }
0x59: {  	_ =	shalt  }
0x5a: {  	_ =	shalt  }
0x5b: {  	_ =	shalt  }
0x5c: {  	_ =	shalt  }
0x5d: {  	_ =	shalt  }
0x5e: {  	_ =	shalt  }
0x5f: {  	_ =	shalt  }
0x60: {  	_ =	shalt  }
0x61: {  	_ =	shalt  }
0x62: {  	_ =	shalt  }
0x63: {  	_ =	shalt  }
0x64: {  	_ =	shalt  }
0x65: {  	_ =	shalt  }
0x66: {  	_ =	shalt  }
0x67: {  	_ =	shalt  }
0x68: {  	_ =	shalt  }
0x69: {  	_ =	shalt  }
0x6a: {  	_ =	shalt  }
0x6b: {  	_ =	shalt  }
0x6c: {  	_ =	shalt  }
0x6d: {  	_ =	shalt  }
0x6e: {  	_ =	shalt  }
0x6f: {  	_ =	shalt  }
0x70: {  	_ =	shalt  }
0x71: {  	_ =	shalt  }
0x72: {  	_ =	shalt  }
0x73: {  	_ =	shalt  }
0x74: {  	_ =	shalt  }
0x75: {  	_ =	shalt  }
0x76: {  	_ =	shalt  }
0x77: {  	_ =	shalt  }
0x78: {  	_ =	shalt  }
0x79: {  	_ =	shalt  }
0x7a: {  	_ =	shalt  }
0x7b: {  	_ =	shalt  }
0x7c: {  	_ =	shalt  }
0x7d: {  	_ =	shalt  }
0x7e: {  	_ =	shalt  }
0x7f: {  	_ =	shalt  }
0x80: {  	_ =	shalt  }
0x81: {  	_ =	shalt  }
0x82: {  	_ =	shalt  }
0x83: {  	_ =	shalt  }
0x84: {  	_ =	shalt  }
0x85: {  	_ =	shalt  }
0x86: {  	_ =	shalt  }
0x87: {  	_ =	shalt  }
.Lfunc_end0:
.L_simem_size_0:
called_computation.1_lowered:
.L_overlay_start_0:
0x88: {  	s2 =	sld [smem:$0x3FD9]  }
0x89: {  	s3 =	sld [smem:$0x3FFE];
	_ =	sdelay $0x1  }
0x8a: {  	s1 =	srdreg.scid  }
0x8b: {  	s0 =	sand.u32 $0x1, s1  }
0x8c: {  	s16 =	sshll.u32 s0, $0xA;
	s2 =	sadd.s32 s3, s2  }
0x8d: {  	s2 =	sadd.s32 s2, s16  }
0x8e: {  	[smem:$0x3FC0] =	sst s2  }
0x8f: {  	_ = 	snop  }
0x90: {  	(tm) =	ssettm $0x1  }
0x91: {  	s17 =	sld [smem:$0x3FFB];
	_ =	sdelay $0x3  }
0x92: {  	_ =	strace s17  }
0x93: {  	s2 =	sld [smem:$0x3FFC];
	_ =	sdelay $0x3  }
0x94: {  	_ =	strace s2  }
0x95: {  	s2 =	sld [smem:$0x3FFD];
	_ =	sdelay $0x3  }
0x96: {  	_ =	strace s2  }
0x97: {  	_ =	strace $0x8FFFFFFF  }
0x98: {  	s18 =	sld [smem:$0x3FDB];
	_ =	sdelay $0x1  }
0x99: {  	s19 =	simm.s32 $_scs_section_size  }
0x9a: {  	s4 =	simm.s32 $_size__tile_overlayer_lowered;
	s5 =	simm.s32 $_tile_overlayer_lowered  }
0x9b: {  	s22 =	simm.s32 $0x1BFF;
	s21 =	sshll.u32 s5, $0x1;
	s2 =	sadd.s32 s19, s18  }
0x9c: {  	s6 =	simm.s32 $0x0;
	s20 =	sshll.u32 s4, $0x1;
	s4 =	sadd.s32 s21, s2  }
0x9d: {  	[timem:s6], [sflag:s22] =	dma.local [hbm:s4], s20  }
0x9e: {  	_ =	swait.ge [sflag:s22], s20  }
0x9f: {  	s3 =	ssub.s32 $0x0, s20;
	[sflag:s22] =	ssyncset.done $0x0  }
0xa0: {  	[sflag:s22] =	ssyncadd.s32 s3;
	_ =	sdelay $0x1  }
0xa1: {  	s23 =	simm.s32 $0x1B8B  }
0xa2: {  	_ =	swait.ge [sflag:s23], $0x1  }
0xa3: {  	[sflag:s23] =	ssyncset.done $0x0  }
0xa4: {  	s25 =	simm.s32 $0x1B8E;
	s24 =	sld [smem:$0x3FFE];
	[sflag:s23] =	ssyncadd.s32 $0xFFFFFFFF  }
0xa5: {  	s26 =	simm.s32 $execute0_lowered;
	[smem:$0x3FD2] =	sst s25  }
0xa6: {  	s4 =	sshll.u32 s26, $0x1;
	_ =	strace $0x80000049;
	[dreg:$0x1] =	wrdreg $0xFFFFFFFF  }
0xa7: {  	s28 =	simm.s32 $_size_execute0_lowered;
	s2 =	sadd.s32 s2, s4;
	[dreg:$0x0] =	wrdreg $0x0  }
0xa8: {  	s4 =	sshll.u32 s28, $0x1;
	[dreg:$0x2] =	wrdreg s2  }
0xa9: {  	[dreg:$0x3] =	wrdreg s4  }
0xaa: {  	[dreg:$0x4] =	wrdreg $0xC0  }
0xab: {  	_ =	task [dreg:s6], $0x5FFFF  }
0xac: {  	[dreg:$0x1] =	wrdreg $0xFFFFFFFF  }
0xad: {  	[dreg:$0x0] =	wrdreg $0x60  }
0xae: {  	[dreg:$0x2] =	wrdreg s24  }
0xaf: {  	[dreg:$0x3] =	wrdreg $0xA8000  }
0xb0: {  	[dreg:$0x4] =	wrdreg $0x9  }
0xb1: {  	_ =	task.clear_ibuf [dreg:s6], $0x5FFFF;
	_ =	strace $0x90000049  }
0xb2: {  	s29 =	simm.s32 $0x9;
	_ =	strace $0x8000004B  }
0xb3: {  	_ =	swait.ge [sflag:s29], $0x1  }
0xb4: {  	[sflag:s29] =	ssyncadd.s32 $0xFFFFFFFF  }
0xb5: {  	_ =	strace $0x9000004B  }
0xb6: {  	_ =	sfence  }
0xb7: {  	s30 =	sld [smem:$0x0];
	_ =	sdelay $0x2  }
0xb8: {  	s31 =	sshll.u32 s1, $0xD;
	s1 =	sshrl.u32 s1, $0x2  }
0xb9: {  	s3 =	sand.u32 $0x4000, s31;
	s1 =	sadd.s32 s1, s30  }
0xba: {  	s0 =	sor.u32 s3, s0;
	s1 =	sshll.u32 s1, $0x11  }
0xbb: {  	s0 =	sor.u32 s1, s0  }
0xbc: {  	s0 =	sadd.s32 $0x8F2B, s0  }
0xbd: {  	[sflag:s0] =	ssyncadd.remote.s32 $0x1  }
0xbe: {  	_ =	sfence.sel $0xFFFF  }
0xbf: {  	[dreg:$0x0] =	wrdreg $0xFFFFFFFF;
	(pc) =	sbr.abs _section_cstart, $3  }
0xc0: {  	[dreg:$0x1] =	wrdreg $0xFFFFFFFF  }
0xc1: {  	_ =	task.clear_ibuf [dreg:s6], $0x2FFFF;
	_ =	strace $0x9FFFFFFF  }
0xc2: {  	(tm) =	ssettm $0x7FFFFFFF  }
0xc3: {  	_ =	shalt  }
tec
execute0_lowered:
.L_overlay_start_1:
0x0: {  	(tag) =	ssettag $0x1  }
0x1: {  	s8 =	rddreg [dreg:$0x0]  }
0x2: {  	s1 =	rddreg [dreg:$0x1];
	s3 =	simm.s32 $0x0  }
0x3: {  	s4 =	srdreg.scid;
	s2 =	stileid.u32;
	s16 =	simm.s32 $0x2800  }
0x4: {  	s17 =	simm.s32 $0x3;
	s18 =	simm.s32 $0x1400;
	s19 =	simm.s32 $0x80  }
0x5: {  	s20 =	simm.s32 $0x6800;
	s21 =	simm.s32 $0x1;
	s22 =	simm.s32 $0x2  }
0x6: {  	s23 =	simm.s32 $0x2700;
	s24 =	simm.s32 $0x2780;
	s25 =	simm.s32 $0x8  }
0x7: {  	s26 =	simm.s32 $0x100;
	[smem:$0x7FF] =	sst s3;
	s7 =	sand.u32 $0x1, s4  }
0x8: {  	s9 =	smul.u32 $0x28000, s2;
	s4 =	sadd.s32 $0xC600, s8;
	s5 =	sadd.s32 $0x67000, s8  }
0x9: {  	s6 =	sadd.s32 $0x2600, s8;
	s31 =	smul.u32 $0x50000, s2;
	_ =	strace $0x8000004A  }
0xa: {  	s10 =	sshll.u32 s7, $0xA;
	s11 =	ssub.s32 $0x2, s7;
	s12 =	smul.u32 $0xA00, s7  }
0xb: {  	s7 =	smul.u32 $0xA0, s2;
	s9 =	sor.u32 s10, s9;
	s13 =	sshrl.u32 s11, $0x1  }
0xc: {  	s10 =	sshrl.u32 s31, $0x2;
	s9 =	sshrl.u32 s9, $0x3;
	s15 =	ssub.s32 s11, s13  }
0xd: {  	s14 =	sadd.s32 s9, s8;
	s8 =	sadd.s32 s10, s1;
	s9 =	sadd.s32 s7, s12  }
0xe: {  	s15 =	smax.u32 s15, $0x1;
	s10 =	sadd.s32 $0x4000, s8;
	s11 =	sadd.s32 $0x8000, s8  }
0xf: {  	v0 =	vimm.f32 $0.0e+00;
	s12 =	sadd.s32 $0xC000, s8;
	s13 =	sadd.s32 $0x10000, s8;
	s14 =	sadd.s32 $0x7B000, s14  }
.LBB2_1:
0x10: {  	s28 =	simm.s32 $0x0;
	s29 =	simm.s32 $0x200  }
.LBB2_2:
0x11: {  	p0 =	sne.s32 s29, $0xFE00;
	[tilespmem:s28+$0x2870] =	vst v0  }
0x12: {  	[tilespmem:s28+$0x2800] =	vst v0  }
0x13: {  	[tilespmem:s28+$0x2810] =	vst v0  }
.Ltmp0:
0x14: {  	[tilespmem:s28+$0x2820] =	vst v0;
	(pc) =	sbr.rel @p0 .LBB2_2-.Ltmp0, $4  }
0x15: {  	[tilespmem:s28+$0x2830] =	vst v0  }
0x16: {  	[tilespmem:s28+$0x2840] =	vst v0  }
0x17: {  	[tilespmem:s28+$0x2850] =	vst v0  }
0x18: {  	[tilespmem:s28+$0x2860] =	vst v0;
	s28 =	sshra.s32 s29, $0x2;
	s29 =	sadd.s32 $0x200, s29  }
0x19: {  	[tilespmem:s28+$0x2870] =	vst v0  }
0x1a: {  	[tilespmem:s28+$0x2800] =	vst v0  }
0x1b: {  	[tilespmem:s28+$0x2810] =	vst v0  }
0x1c: {  	[tilespmem:s28+$0x2820] =	vst v0  }
0x1d: {  	[tilespmem:s28+$0x2830] =	vst v0  }
0x1e: {  	[tilespmem:s28+$0x2840] =	vst v0  }
0x1f: {  	[tilespmem:s28+$0x2850] =	vst v0  }
0x20: {  	[tilespmem:s28+$0x2860] =	vst v0  }
0x21: {  	[spmem:s8] =	stream.linear.scatter [tilespmem:s16], [sflag:$0x3], $0x4000, $0x38;
	[tilespmem:$0x1E800] =	vst v63  }
0x22: {  	_ =	swait.ge [sflag:s17], $0x4000  }
0x23: {  	[sflag:s17] =	ssyncset.done $0x0  }
0x24: {  	[sflag:s17] =	ssyncadd.s32 $0xFFFFC000  }
0x25: {  	[spmem:s10] =	stream.linear.scatter [tilespmem:s16], [sflag:$0x3], $0x4000, $0x38;
	[tilespmem:$0x1E800] =	vst v63  }
0x26: {  	_ =	swait.ge [sflag:s17], $0x4000  }
0x27: {  	[sflag:s17] =	ssyncset.done $0x0  }
0x28: {  	[sflag:s17] =	ssyncadd.s32 $0xFFFFC000  }
0x29: {  	[spmem:s11] =	stream.linear.scatter [tilespmem:s16], [sflag:$0x3], $0x4000, $0x38;
	[tilespmem:$0x1E800] =	vst v63  }
0x2a: {  	_ =	swait.ge [sflag:s17], $0x4000  }
0x2b: {  	[sflag:s17] =	ssyncset.done $0x0  }
0x2c: {  	[sflag:s17] =	ssyncadd.s32 $0xFFFFC000  }
0x2d: {  	[spmem:s12] =	stream.linear.scatter [tilespmem:s16], [sflag:$0x3], $0x4000, $0x38;
	[tilespmem:$0x1E800] =	vst v63  }
0x2e: {  	_ =	swait.ge [sflag:s17], $0x4000  }
0x2f: {  	[sflag:s17] =	ssyncset.done $0x0  }
0x30: {  	[sflag:s17] =	ssyncadd.s32 $0xFFFFC000  }
0x31: {  	[spmem:s13] =	stream.linear.scatter [tilespmem:s16], [sflag:$0x3], $0x4000, $0x38;
	[tilespmem:$0x1E800] =	vst v63  }
0x32: {  	_ =	swait.ge [sflag:s17], $0x4000  }
0x33: {  	[sflag:s17] =	ssyncset.done $0x0  }
0x34: {  	[sflag:s17] =	ssyncadd.s32 $0xFFFFC000  }
0x35: {  	s28 =	simm.s32 $0x0;
	s29 =	simm.s32 $0x0;
	[bflag:$0x0] =	sbarrier.arrive $0xFFFF  }
.LBB2_4:
0x36: {  	s30 =	smul.u32 $0x28, s29;
	_ =	sdelay $0x1  }
0x37: {  	s31 =	sadd.s32 s30, s9  }
0x38: {  	s31 =	sshll.u32 s31, $0x4  }
0x39: {  	s31 =	sadd.s32 s5, s31  }
0x3a: {  	[tilespmem:s28], [sflag:$0x3] =	stream.linear.gather [hbm4b:s31+s28], $0x1400, $0x38;
	[tilespmem:$0x1E800] =	vst v63  }
0x3b: {  	s30 =	sadd.s32 s7, s30;
	_ =	swait.ge [sflag:s17], $0x1400  }
0x3c: {  	s30 =	sshll.u32 s30, $0x4;
	[sflag:s17] =	ssyncset.done $0x0  }
0x3d: {  	s30 =	sadd.s32 s6, s30;
	[sflag:s17] =	ssyncadd.s32 $0xFFFFEC00  }
0x3e: {  	[tilespmem:s18], [sflag:$0x3] =	stream.linear.gather [hbm4b:s30+s28], $0x1400, $0x38;
	[tilespmem:$0x1E800] =	vst v63  }
0x3f: {  	_ =	swait.ge [sflag:s17], $0x1400  }
0x40: {  	[sflag:s17] =	ssyncset.done $0x0  }
0x41: {  	[sflag:s17] =	ssyncadd.s32 $0xFFFFEC00  }
0x42: {  	[tilespmem:s16], [sflag:$0x1] =	stream.indirect.gather [hbm4b:s4+s19], $0x80, s28, s19, $0xb8;
	[tilespmem:$0x1E800] =	vst v63  }
0x43: {  	_ = 	snop  }
0x44: {  	[tilespmem:s20], [sflag:$0x2] =	stream.indirect.gather [hbm4b:s4+s19], $0x80, s19, s19, $0xb8;
	[tilespmem:$0x1E800] =	vst v63  }
0x45: {  	_ =	swait.ge [sflag:s21], $0x4000  }
0x46: {  	[sflag:s21] =	ssyncset.done $0x0  }
0x47: {  	s30 =	simm.s32 $0x1400;
	[sflag:s21] =	ssyncadd.s32 $0xFFFFC000  }
0x48: {  	[spmem:s1] =	stream.indirect.scatter.add.f32 [tilespmem:s16], [sflag:$0x3], $0x80, s30, s19, $0xb8;
	[tilespmem:$0x1E800] =	vst v63  }
0x49: {  	_ =	swait.ge [sflag:s17], $0x4000  }
0x4a: {  	[sflag:s17] =	ssyncset.done $0x0  }
0x4b: {  	s30 =	simm.s32 $0x100;
	[sflag:s17] =	ssyncadd.s32 $0xFFFFC000  }
0x4c: {  	[tilespmem:s16], [sflag:$0x1] =	stream.indirect.gather [hbm4b:s4+s19], $0x80, s30, s19, $0xb8;
	[tilespmem:$0x1E800] =	vst v63  }
0x4d: {  	_ =	swait.ge [sflag:s22], $0x4000  }
0x4e: {  	[sflag:s22] =	ssyncset.done $0x0  }
0x4f: {  	s30 =	simm.s32 $0x1480;
	[sflag:s22] =	ssyncadd.s32 $0xFFFFC000  }
0x50: {  	[spmem:s1] =	stream.indirect.scatter.add.f32 [tilespmem:s20], [sflag:$0x3], $0x80, s30, s19, $0xb8;
	[tilespmem:$0x1E800] =	vst v63  }
0x51: {  	_ =	swait.ge [sflag:s17], $0x4000  }
0x52: {  	[sflag:s17] =	ssyncset.done $0x0  }
0x53: {  	s31 =	simm.s32 $0x180;
	s30 =	simm.s32 $0x400;
	[sflag:s17] =	ssyncadd.s32 $0xFFFFC000  }
.LBB2_5:
0x54: {  	[tilespmem:s20], [sflag:$0x2] =	stream.indirect.gather [hbm4b:s4+s19], $0x80, s31, s19, $0xb8;
	[tilespmem:$0x1E800] =	vst v63  }
0x55: {  	s31 =	smov.u32 s30  }
0x56: {  	p0 =	sne.s32 s30, $0x4800;
	s30 =	sadd.s32 $0x400, s30;
	_ =	swait.ge [sflag:s21], $0x4000  }
0x57: {  	s31 =	sshra.s32 s31, $0x2;
	[sflag:s21] =	ssyncset.done $0x0  }
0x58: {  	s0 =	sadd.s32 $0x1400, s31;
	[sflag:s21] =	ssyncadd.s32 $0xFFFFC000  }
0x59: {  	[spmem:s1] =	stream.indirect.scatter.add.f32 [tilespmem:s16], [sflag:$0x3], $0x80, s0, s19, $0xb8;
	[tilespmem:$0x1E800] =	vst v63  }
0x5a: {  	_ =	swait.ge [sflag:s17], $0x4000  }
0x5b: {  	[sflag:s17] =	ssyncset.done $0x0  }
0x5c: {  	s0 =	sadd.s32 $0x100, s31;
	[sflag:s17] =	ssyncadd.s32 $0xFFFFC000  }
0x5d: {  	[tilespmem:s16], [sflag:$0x1] =	stream.indirect.gather [hbm4b:s4+s19], $0x80, s0, s19, $0xb8;
	[tilespmem:$0x1E800] =	vst v63  }
0x5e: {  	_ =	swait.ge [sflag:s22], $0x4000  }
0x5f: {  	[sflag:s22] =	ssyncset.done $0x0  }
.Ltmp1:
0x60: {  	s0 =	sadd.s32 $0x1480, s31;
	[sflag:s22] =	ssyncadd.s32 $0xFFFFC000;
	(pc) =	sbr.rel @p0 .LBB2_5-.Ltmp1, $4  }
0x61: {  	[spmem:s1] =	stream.indirect.scatter.add.f32 [tilespmem:s20], [sflag:$0x3], $0x80, s0, s19, $0xb8;
	[tilespmem:$0x1E800] =	vst v63  }
0x62: {  	_ =	swait.ge [sflag:s17], $0x4000  }
0x63: {  	[sflag:s17] =	ssyncset.done $0x0  }
0x64: {  	s31 =	sadd.s32 $0x180, s31;
	[sflag:s17] =	ssyncadd.s32 $0xFFFFC000  }
0x65: {  	[tilespmem:s20], [sflag:$0x2] =	stream.indirect.gather [hbm4b:s4+s19], $0x80, s31, s19, $0xb8;
	[tilespmem:$0x1E800] =	vst v63  }
0x66: {  	_ =	swait.ge [sflag:s21], $0x4000  }
0x67: {  	[sflag:s21] =	ssyncset.done $0x0  }
0x68: {  	[sflag:s21] =	ssyncadd.s32 $0xFFFFC000  }
0x69: {  	[spmem:s1] =	stream.indirect.scatter.add.f32 [tilespmem:s16], [sflag:$0x3], $0x80, s23, s19, $0xb8;
	[tilespmem:$0x1E800] =	vst v63  }
0x6a: {  	_ =	swait.ge [sflag:s17], $0x4000  }
0x6b: {  	[sflag:s17] =	ssyncset.done $0x0  }
0x6c: {  	[sflag:s17] =	ssyncadd.s32 $0xFFFFC000  }
0x6d: {  	s29 =	sadd.s32 $0x1, s29;
	_ =	swait.ge [sflag:s22], $0x4000  }
0x6e: {  	p0 =	sne.s32 s29, $0x4;
	[sflag:s22] =	ssyncset.done $0x0  }
.Ltmp2:
0x6f: {  	[sflag:s22] =	ssyncadd.s32 $0xFFFFC000;
	(pc) =	sbr.rel @p0 .LBB2_4-.Ltmp2, $4  }
0x70: {  	[spmem:s1] =	stream.indirect.scatter.add.f32 [tilespmem:s20], [sflag:$0x3], $0x80, s24, s19, $0xb8;
	[tilespmem:$0x1E800] =	vst v63  }
0x71: {  	_ =	swait.ge [sflag:s17], $0x4000  }
0x72: {  	[sflag:s17] =	ssyncset.done $0x0  }
0x73: {  	[sflag:s17] =	ssyncadd.s32 $0xFFFFC000  }
0x74: {  	s3 =	sadd.s32 $0x1, s3  }
0x75: {  	s0 =	sshll.u32 s2, $0x6;
	[bflag:$0x0] =	sbarrier.arrive $0xFFFF;
	p0 =	sne.s32 s3, s15  }
.Ltmp3:
0x76: {  	s28 =	sshrl.u32 s8, $0x3;
	s0 =	sor.u32 $0x1C03, s0;
	(pc) =	sbr.rel @p0 .LBB2_1-.Ltmp3, $4  }
0x77: {  	[hbm:s14@s26], [sflag:s0] =	dma.strided [spmem:s28@s19], $0x2800, s25, $0x10   }
0x78: {  	_ =	swait.ge [sflag:s17], $0x2800  }
0x79: {  	[sflag:s17] =	ssyncset.done $0x0  }
0x7a: {  	[sflag:s17] =	ssyncadd.s32 $0xFFFFD800  }
0x7b: {  	_ =	sfence.sel $0x180000  }
0x7c: {  	[bflag:$0x0] =	sbarrier.arrive $0xFFFF  }
0x7d: {  	_ =	strace $0x9000004A  }
0x7e: {  	[bflag:$0x2] =	sbarrier.arrive $0xFFFF  }
0x7f: {  	p0 =	sne.s32 s2, $0x0;
	s0 =	rddreg [dreg:$0x2]  }
0x80: {  	s0 =	sadd.s32 @!p0 $0x100000, s0  }
0x81: {  	[sflag:s0] =	ssyncadd.tile.s32 @!p0 $0x1;
	_ =	shalt  }
.Lfunc_end2:
_tile_overlayer_lowered:
.L_overlay_start_2:
0x82: {  	(tag) =	ssettag $0x2  }
0x83: {  	s0 =	rddreg [dreg:$0x0];
	s2 =	stileid.u32  }
0x84: {  	s1 =	rddreg [dreg:$0x1];
	p0 =	sne.s32 s2, $0x0  }
0x85: {  	s3 =	rddreg [dreg:$0x2];
	[bflag:$0x3] =	sbarrier.arrive $0xFFFF;
	s2 =	simm.s32 @!p0 $0x1C03  }
0x86: {  	[timem:s3], [sflag:s2] =	dma.local @!p0 [hbm:s0], s1  }
0x87: {  	s0 =	simm.s32 @!p0 $0x3  }
0x88: {  	_ =	swait.ge @!p0 [sflag:s0], s1  }
0x89: {  	s1 =	ssub.s32 @!p0 $0x0, s1;
	[sflag:s0] =	ssyncset.done @!p0 $0x0  }
0x8a: {  	[sflag:s0] =	ssyncadd.s32 @!p0 s1  }
0x8b: {  	[bflag:$0x3] =	sbarrier.arrive $0xFFFF  }
0x8c: {  	_ =	shalt  }

</sc_bundles>
